<compile_context>
chip_gen: v7x
topology: tpu7x:2x2x1
jax: 0.10.2.dev20260603
libtpu: 0.0.44.dev20260713+nightly
codegen_flags: <defaults>
</compile_context>

<pallas_src>
import jax
import jax.numpy as jnp
from jax import lax
from jax.experimental import pallas as pl
from jax.experimental.pallas import tpu as pltpu
from jax.experimental.pallas import tpu_sc as plsc

BATCH = 4096
HIST = 50
DIM = 64
VOCAB = 100000
NUM_CORES = 2
NUM_SUBCORES = 16
NW = NUM_CORES * NUM_SUBCORES
FEAT_W = DIM // NW


def _emb_body(idx_hbm, table_hbm, out_hbm, ish, wrow,
              ib0, ib1, ob0, ob1, is0, is1, os0, os1):
    cid = lax.axis_index("c")
    sid = lax.axis_index("s")
    w = sid * NUM_CORES + cid

    @pl.when(sid == 0)
    def _():
        pltpu.sync_copy(idx_hbm, ish)
    plsc.subcore_barrier()

    ibufs = (ib0, ib1)
    obufs = (ob0, ob1)
    isems = (is0, is1)
    osems = (os0, os1)

    def wait_idx(p):
        pltpu.make_async_copy(ish.at[0], ibufs[p], isems[p]).wait()

    def wait_out(p, dst):
        pltpu.make_async_copy(obufs[p], dst, osems[p]).wait()

    def do_h(h, dg, dr, p):
        wait_idx(p)
        idx_v = ibufs[p]
        out_v = obufs[p]

        @plsc.parallel_loop(0, BATCH // 128, step=1, unroll=2)
        def _gather(t, idx_v=idx_v, out_v=out_v):
            for c in range(8):
                i16 = idx_v[pl.ds(t * 128 + c * 16, 16)]
                out_v[t, pl.ds(c * 16, 16)] = plsc.load_gather(wrow, [i16])

        pltpu.async_copy(out_v, out_hbm.at[h, dg, :, dr], osems[p])

    for dd in range(FEAT_W):
        d = FEAT_W * w + dd
        dg = d // 8
        dr = d % 8
        pltpu.sync_copy(table_hbm.at[d], wrow)
        pltpu.async_copy(ish.at[0], ibufs[0], isems[0])
        pltpu.async_copy(ish.at[1], ibufs[1], isems[1])

        def pair(j, _, dg=dg, dr=dr):
            h0 = 2 * j

            @pl.when(j > 0)
            def _():
                wait_out(0, out_hbm.at[h0, dg, :, dr])
            do_h(h0, dg, dr, 0)

            @pl.when(j < HIST // 2 - 1)
            def _():
                pltpu.async_copy(ish.at[h0 + 2], ibufs[0], isems[0])

            @pl.when(j > 0)
            def _():
                wait_out(1, out_hbm.at[h0, dg, :, dr])
            do_h(h0 + 1, dg, dr, 1)

            @pl.when(j < HIST // 2 - 1)
            def _():
                pltpu.async_copy(ish.at[h0 + 3], ibufs[1], isems[1])
            return ()

        lax.fori_loop(0, HIST // 2, pair, ())
        wait_out(0, out_hbm.at[0, dg, :, dr])
        wait_out(1, out_hbm.at[0, dg, :, dr])


def kernel(input, weight):
    mesh = plsc.VectorSubcoreMesh(core_axis_name="c", subcore_axis_name="s")
    out5 = pl.kernel(
        _emb_body,
        out_type=jax.ShapeDtypeStruct((HIST, 8, BATCH // 128, 8, 128),
                                      jnp.float32),
        mesh=mesh,
        scratch_types=[
            pltpu.VMEM_SHARED((HIST, BATCH), jnp.int32),
            pltpu.VMEM((VOCAB,), jnp.float32),
            pltpu.VMEM((BATCH,), jnp.int32),
            pltpu.VMEM((BATCH,), jnp.int32),
            pltpu.VMEM((BATCH // 128, 128), jnp.float32),
            pltpu.VMEM((BATCH // 128, 128), jnp.float32),
            pltpu.SemaphoreType.DMA,
            pltpu.SemaphoreType.DMA,
            pltpu.SemaphoreType.DMA,
            pltpu.SemaphoreType.DMA,
        ],
        compiler_params=pltpu.CompilerParams(use_tc_tiling_on_sc=False,
                                             needs_layout_passes=False),
    )(input.T, weight.T)
    return out5.transpose(2, 4, 0, 1, 3).reshape(BATCH, HIST, DIM)

# --- scband reference (transcript-rebuilt; emitter-appended) ---
"""Pipeline reference for scband-word-embedding-59365037965467 (READ-ONLY COPY).

The authoritative reference and input builder live on the scoring server;
editing this copy changes nothing except your own understanding.
"""

import jax, jax.numpy as jnp
import numpy as np

NUM_EMBEDDINGS = 100000
EMBEDDING_DIM = 64
PAD_IDX = 0
BATCH = 4096
HIST_LEN = 50


def setup_inputs(seed: int = 0) -> dict:
    key = jax.random.key(seed)
    k_idx, k_w = jax.random.split(key)
    input = jax.random.randint(k_idx, (BATCH, HIST_LEN), 0, NUM_EMBEDDINGS, dtype=jnp.int32)
    weight = jax.random.normal(k_w, (NUM_EMBEDDINGS, EMBEDDING_DIM), dtype=jnp.float32)
    # nn.Embedding with padding_idx initializes the pad row to zeros
    weight = weight.at[PAD_IDX].set(0.0)
    return {"input": input, "weight": weight}


def reference(input, weight):
    # Faithful nn.Embedding forward with padding_idx semantics:
    # the pad row always produces a zero embedding.
    w = weight.at[PAD_IDX].set(0.0)
    return jnp.take(w, input, axis=0)

if __name__ == "__main__":
    import jax
    _d = setup_inputs()
    print(jax.jit(kernel)(*tuple(_d.values())))

</pallas_src>

<mosaic_0001>
#map = affine_map<(d0, d1) -> (0, 0)>
#map1 = affine_map<(d0, d1) -> (0, 0, 0, 0, 0)>
module attributes {stable_mosaic.version = 14 : i64} {
  func.func @_emb_body(%arg0: i32, %arg1: i32, %arg2: memref<50x4096xi32, #tpu.memory_space<hbm>>, %arg3: memref<64x100000xf32, #tpu.memory_space<hbm>>, %arg4: memref<50x8x32x8x128xf32, #tpu.memory_space<hbm>>, %arg5: memref<50x4096xi32, #tpu.memory_space<vmem_shared>>, %arg6: memref<100000xf32, #tpu.memory_space<vmem>>, %arg7: memref<4096xi32, #tpu.memory_space<vmem>>, %arg8: memref<4096xi32, #tpu.memory_space<vmem>>, %arg9: memref<32x128xf32, #tpu.memory_space<vmem>>, %arg10: memref<32x128xf32, #tpu.memory_space<vmem>>, %arg11: memref<!tpu.dma_semaphore, #tpu.memory_space<semaphore_mem>>, %arg12: memref<!tpu.dma_semaphore, #tpu.memory_space<semaphore_mem>>, %arg13: memref<!tpu.dma_semaphore, #tpu.memory_space<semaphore_mem>>, %arg14: memref<!tpu.dma_semaphore, #tpu.memory_space<semaphore_mem>>) attributes {dimension_semantics = [#tpu.dimension_semantics<core_parallel>, #tpu.dimension_semantics<subcore_parallel>], iteration_bounds = array<i64: 2, 16>, scalar_prefetch = 0 : i64, scratch_operands = 10 : i64, tpu.core_type = #tpu.core_type<sc_vector_subcore>, window_params = [{transform_indices = #map}, {transform_indices = #map}, {transform_indices = #map1}]} {
    %mul3A = arith.constant 2 : i32
    %mul3A_0 = arith.muli %arg1, %mul3A : i32
    %add3A = arith.addi %mul3A_0, %arg0 : i32
    %eq3A = arith.constant 0 : i32
    %eq3A_1 = arith.cmpi eq, %arg1, %eq3A : i32
    %convert_element_type3A = arith.extui %eq3A_1 : i1 to i32
    %cond3A = arith.constant 0 : i32
    %cond3A_2 = arith.cmpi ne, %convert_element_type3A, %cond3A : i32
    scf.if %cond3A_2 {
      "tpu.region"() ({
        %run_scoped3A = tpu.sem_alloc : memref<!tpu.dma_semaphore, #tpu.memory_space<semaphore_mem>>
        tpu.enqueue_dma source(%arg2 : memref<50x4096xi32, #tpu.memory_space<hbm>>) target(%arg5 : memref<50x4096xi32, #tpu.memory_space<vmem_shared>>) target_semaphore(%run_scoped3A : memref<!tpu.dma_semaphore, #tpu.memory_space<semaphore_mem>>)
        tpu.wait_dma2 semaphore(%run_scoped3A : memref<!tpu.dma_semaphore, #tpu.memory_space<semaphore_mem>>) src(%arg2 : memref<50x4096xi32, #tpu.memory_space<hbm>>) dst(%arg5 : memref<50x4096xi32, #tpu.memory_space<vmem_shared>>)
        tpu.yield
      }) : () -> ()
    } else {
    }
    %barrier3A = arith.constant 0 : index
    tpu.barrier barrier_id(%barrier3A)
    %mul3A_3 = arith.constant 2 : i32
    %mul3A_4 = arith.muli %mul3A_3, %add3A : i32
    %add3A_5 = arith.constant 0 : i32
    %add3A_6 = arith.addi %mul3A_4, %add3A_5 : i32
    %jit3A = arith.constant 8 : i32
    %div3A = arith.divsi %add3A_6, %jit3A : i32
    %sign3A = arith.constant 0 : i32
    %sign3A_7 = arith.cmpi sgt, %add3A_6, %sign3A : i32
    %sign3A_8 = arith.extui %sign3A_7 : i1 to i32
    %sign3A_9 = arith.constant 0 : i32
    %sign3A_10 = arith.cmpi slt, %add3A_6, %sign3A_9 : i32
    %sign3A_11 = arith.extui %sign3A_10 : i1 to i32
    %sign3A_12 = arith.subi %sign3A_8, %sign3A_11 : i32
    %sign3A_13 = arith.constant 0 : i32
    %sign3A_14 = arith.cmpi sgt, %jit3A, %sign3A_13 : i32
    %sign3A_15 = arith.extui %sign3A_14 : i1 to i32
    %sign3A_16 = arith.constant 0 : i32
    %sign3A_17 = arith.cmpi slt, %jit3A, %sign3A_16 : i32
    %sign3A_18 = arith.extui %sign3A_17 : i1 to i32
    %sign3A_19 = arith.subi %sign3A_15, %sign3A_18 : i32
    %ne3A = arith.cmpi ne, %sign3A_12, %sign3A_19 : i32
    %rem3A = arith.remsi %add3A_6, %jit3A : i32
    %ne3A_20 = arith.constant 0 : i32
    %ne3A_21 = arith.cmpi ne, %rem3A, %ne3A_20 : i32
    %and3A = arith.andi %ne3A, %ne3A_21 : i1
    %sub3A = arith.constant 1 : i32
    %sub3A_22 = arith.subi %div3A, %sub3A : i32
    %select_n3A = arith.select %and3A, %sub3A_22, %div3A : i32
    %jit3A_23 = arith.constant 8 : i32
    %eq3A_24 = arith.constant 0 : i32
    %eq3A_25 = arith.cmpi eq, %jit3A_23, %eq3A_24 : i32
    %jit3A_26 = arith.constant 1 : i32
    %select_n3A_27 = arith.select %eq3A_25, %jit3A_26, %jit3A_23 : i32
    %rem3A_28 = arith.remsi %add3A_6, %select_n3A_27 : i32
    %ne3A_29 = arith.constant 0 : i32
    %ne3A_30 = arith.cmpi ne, %rem3A_28, %ne3A_29 : i32
    %lt3A = arith.constant 0 : i32
    %lt3A_31 = arith.cmpi slt, %rem3A_28, %lt3A : i32
    %lt3A_32 = arith.constant 0 : i32
    %lt3A_33 = arith.cmpi slt, %select_n3A_27, %lt3A_32 : i32
    %ne3A_34 = arith.xori %lt3A_31, %lt3A_33 : i1
    %and3A_35 = arith.andi %ne3A_34, %ne3A_30 : i1
    %add3A_36 = arith.addi %rem3A_28, %select_n3A_27 : i32
    %select_n3A_37 = arith.select %and3A_35, %add3A_36, %rem3A_28 : i32
    "tpu.region"() ({
      %run_scoped3A = tpu.sem_alloc : memref<!tpu.dma_semaphore, #tpu.memory_space<semaphore_mem>>
      %dma_start3A_153 = arith.constant 0 : i32
      %dma_start3A_154 = tpu.memref_slice %arg3[%add3A_6, %dma_start3A_153] : memref<64x100000xf32, #tpu.memory_space<hbm>> -> memref<1x100000xf32, #tpu.memory_space<hbm>>
      %dma_start3A_155 = tpu.memref_squeeze %dma_start3A_154 : memref<1x100000xf32, #tpu.memory_space<hbm>> -> memref<100000xf32, #tpu.memory_space<hbm>>
      %dma_start3A_156 = arith.constant 0 : i32
      %dma_start3A_157 = tpu.memref_slice %arg3[%add3A_6, %dma_start3A_156] : memref<64x100000xf32, #tpu.memory_space<hbm>> -> memref<1x100000xf32, #tpu.memory_space<hbm>>
      %dma_start3A_158 = tpu.memref_squeeze %dma_start3A_157 : memref<1x100000xf32, #tpu.memory_space<hbm>> -> memref<100000xf32, #tpu.memory_space<hbm>>
      tpu.enqueue_dma source(%dma_start3A_158 : memref<100000xf32, #tpu.memory_space<hbm>>) target(%arg6 : memref<100000xf32, #tpu.memory_space<vmem>>) target_semaphore(%run_scoped3A : memref<!tpu.dma_semaphore, #tpu.memory_space<semaphore_mem>>)
      %dma_wait3A_159 = arith.constant 0 : i32
      %dma_wait3A_160 = tpu.memref_slice %arg3[%add3A_6, %dma_wait3A_159] : memref<64x100000xf32, #tpu.memory_space<hbm>> -> memref<1x100000xf32, #tpu.memory_space<hbm>>
      %dma_wait3A_161 = tpu.memref_squeeze %dma_wait3A_160 : memref<1x100000xf32, #tpu.memory_space<hbm>> -> memref<100000xf32, #tpu.memory_space<hbm>>
      %dma_wait3A_162 = arith.constant 0 : i32
      %dma_wait3A_163 = tpu.memref_slice %arg3[%add3A_6, %dma_wait3A_162] : memref<64x100000xf32, #tpu.memory_space<hbm>> -> memref<1x100000xf32, #tpu.memory_space<hbm>>
      %dma_wait3A_164 = tpu.memref_squeeze %dma_wait3A_163 : memref<1x100000xf32, #tpu.memory_space<hbm>> -> memref<100000xf32, #tpu.memory_space<hbm>>
      tpu.wait_dma2 semaphore(%run_scoped3A : memref<!tpu.dma_semaphore, #tpu.memory_space<semaphore_mem>>) src(%dma_wait3A_164 : memref<100000xf32, #tpu.memory_space<hbm>>) dst(%arg6 : memref<100000xf32, #tpu.memory_space<vmem>>)
      tpu.yield
    }) : () -> ()
    %dma_start3A = arith.constant 0 : i32
    %dma_start3A_38 = arith.constant 0 : i32
    %dma_start3A_39 = tpu.memref_slice %arg5[%dma_start3A, %dma_start3A_38] : memref<50x4096xi32, #tpu.memory_space<vmem_shared>> -> memref<1x4096xi32, #tpu.memory_space<vmem_shared>>
    %dma_start3A_40 = tpu.memref_squeeze %dma_start3A_39 : memref<1x4096xi32, #tpu.memory_space<vmem_shared>> -> memref<4096xi32, #tpu.memory_space<vmem_shared>>
    %dma_start3A_41 = arith.constant 0 : i32
    %dma_start3A_42 = tpu.memref_slice %arg5[%dma_start3A, %dma_start3A_41] : memref<50x4096xi32, #tpu.memory_space<vmem_shared>> -> memref<1x4096xi32, #tpu.memory_space<vmem_shared>>
    %dma_start3A_43 = tpu.memref_squeeze %dma_start3A_42 : memref<1x4096xi32, #tpu.memory_space<vmem_shared>> -> memref<4096xi32, #tpu.memory_space<vmem_shared>>
    tpu.enqueue_dma source(%dma_start3A_43 : memref<4096xi32, #tpu.memory_space<vmem_shared>>) target(%arg7 : memref<4096xi32, #tpu.memory_space<vmem>>) target_semaphore(%arg11 : memref<!tpu.dma_semaphore, #tpu.memory_space<semaphore_mem>>)
    %dma_start3A_44 = arith.constant 1 : i32
    %dma_start3A_45 = arith.constant 0 : i32
    %dma_start3A_46 = tpu.memref_slice %arg5[%dma_start3A_44, %dma_start3A_45] : memref<50x4096xi32, #tpu.memory_space<vmem_shared>> -> memref<1x4096xi32, #tpu.memory_space<vmem_shared>>
    %dma_start3A_47 = tpu.memref_squeeze %dma_start3A_46 : memref<1x4096xi32, #tpu.memory_space<vmem_shared>> -> memref<4096xi32, #tpu.memory_space<vmem_shared>>
    %dma_start3A_48 = arith.constant 0 : i32
    %dma_start3A_49 = tpu.memref_slice %arg5[%dma_start3A_44, %dma_start3A_48] : memref<50x4096xi32, #tpu.memory_space<vmem_shared>> -> memref<1x4096xi32, #tpu.memory_space<vmem_shared>>
    %dma_start3A_50 = tpu.memref_squeeze %dma_start3A_49 : memref<1x4096xi32, #tpu.memory_space<vmem_shared>> -> memref<4096xi32, #tpu.memory_space<vmem_shared>>
    tpu.enqueue_dma source(%dma_start3A_50 : memref<4096xi32, #tpu.memory_space<vmem_shared>>) target(%arg8 : memref<4096xi32, #tpu.memory_space<vmem>>) target_semaphore(%arg12 : memref<!tpu.dma_semaphore, #tpu.memory_space<semaphore_mem>>)
    %scan3A = arith.constant 0 : i32
    %scan3A_51 = arith.constant 25 : i32
    %scan3A_52 = arith.addi %scan3A, %scan3A_51 : i32
    %scan3A_53 = arith.constant 1 : i32
    scf.for %scan3A_153 = %scan3A to %scan3A_52 step %scan3A_53  : i32 {
      %mul3A_154 = arith.constant 2 : i32
      %mul3A_155 = arith.muli %mul3A_154, %scan3A_153 : i32
      %gt3A = arith.constant 0 : i32
      %gt3A_156 = arith.cmpi sgt, %scan3A_153, %gt3A : i32
      %convert_element_type3A_157 = arith.extui %gt3A_156 : i1 to i32
      %cond3A_158 = arith.constant 0 : i32
      %cond3A_159 = arith.cmpi ne, %convert_element_type3A_157, %cond3A_158 : i32
      scf.if %cond3A_159 {
        %dma_wait3A_212 = arith.constant 0 : i32
        %dma_wait3A_213 = arith.constant 0 : i32
        %dma_wait3A_214 = tpu.memref_slice %arg4[%mul3A_155, %select_n3A, %dma_wait3A_212, %select_n3A_37, %dma_wait3A_213] : memref<50x8x32x8x128xf32, #tpu.memory_space<hbm>> -> memref<1x1x32x1x128xf32, #tpu.memory_space<hbm>>
        %dma_wait3A_215 = tpu.memref_squeeze %dma_wait3A_214 : memref<1x1x32x1x128xf32, #tpu.memory_space<hbm>> -> memref<32x128xf32, #tpu.memory_space<hbm>>
        %dma_wait3A_216 = arith.constant 0 : i32
        %dma_wait3A_217 = arith.constant 0 : i32
        %dma_wait3A_218 = tpu.memref_slice %arg4[%mul3A_155, %select_n3A, %dma_wait3A_216, %select_n3A_37, %dma_wait3A_217] : memref<50x8x32x8x128xf32, #tpu.memory_space<hbm>> -> memref<1x1x32x1x128xf32, #tpu.memory_space<hbm>>
        %dma_wait3A_219 = tpu.memref_squeeze %dma_wait3A_218 : memref<1x1x32x1x128xf32, #tpu.memory_space<hbm>> -> memref<32x128xf32, #tpu.memory_space<hbm>>
        tpu.wait_dma2 semaphore(%arg13 : memref<!tpu.dma_semaphore, #tpu.memory_space<semaphore_mem>>) src(%arg9 : memref<32x128xf32, #tpu.memory_space<vmem>>) dst(%dma_wait3A_219 : memref<32x128xf32, #tpu.memory_space<hbm>>)
      } else {
      }
      %dma_wait3A_160 = arith.constant 0 : i32
      %dma_wait3A_161 = arith.constant 0 : i32
      %dma_wait3A_162 = tpu.memref_slice %arg5[%dma_wait3A_160, %dma_wait3A_161] : memref<50x4096xi32, #tpu.memory_space<vmem_shared>> -> memref<1x4096xi32, #tpu.memory_space<vmem_shared>>
      %dma_wait3A_163 = tpu.memref_squeeze %dma_wait3A_162 : memref<1x4096xi32, #tpu.memory_space<vmem_shared>> -> memref<4096xi32, #tpu.memory_space<vmem_shared>>
      %dma_wait3A_164 = arith.constant 0 : i32
      %dma_wait3A_165 = tpu.memref_slice %arg5[%dma_wait3A_160, %dma_wait3A_164] : memref<50x4096xi32, #tpu.memory_space<vmem_shared>> -> memref<1x4096xi32, #tpu.memory_space<vmem_shared>>
      %dma_wait3A_166 = tpu.memref_squeeze %dma_wait3A_165 : memref<1x4096xi32, #tpu.memory_space<vmem_shared>> -> memref<4096xi32, #tpu.memory_space<vmem_shared>>
      tpu.wait_dma2 semaphore(%arg11 : memref<!tpu.dma_semaphore, #tpu.memory_space<semaphore_mem>>) src(%dma_wait3A_166 : memref<4096xi32, #tpu.memory_space<vmem_shared>>) dst(%arg7 : memref<4096xi32, #tpu.memory_space<vmem>>)
      %parallel_loop3A = arith.constant 0 : i32
      %parallel_loop3A_167 = arith.constant 32 : i32
      %parallel_loop3A_168 = arith.constant 1 : i32
      scf.for %parallel_loop3A_212 = %parallel_loop3A to %parallel_loop3A_167 step %parallel_loop3A_168  : i32 {
        %parallel_loop3A_213 = arith.constant 128 : i32
        %parallel_loop3A_214 = arith.muli %parallel_loop3A_212, %parallel_loop3A_213 : i32
        %parallel_loop3A_215 = arith.constant 0 : i32
        %parallel_loop3A_216 = arith.addi %parallel_loop3A_214, %parallel_loop3A_215 : i32
        %parallel_loop3A_217 = arith.index_cast %parallel_loop3A_216 : i32 to index
        %parallel_loop3A_218 = tpu.vector_load %arg7[%parallel_loop3A_217] {strides = array<i32>} : memref<4096xi32, #tpu.memory_space<vmem>>, vector<16xi32>,
        %parallel_loop3A_219 = tpu.vector_load_idx %arg6[%parallel_loop3A_218] : memref<100000xf32, #tpu.memory_space<vmem>>[vector<16xi32>], vector<16xf32>,
        %parallel_loop3A_220 = arith.index_cast %parallel_loop3A_212 : i32 to index
        %parallel_loop3A_221 = arith.constant 0 : index
        %parallel_loop3A_222 = tpu.vector_load %arg9[%parallel_loop3A_220, %parallel_loop3A_221] {strides = array<i32>} : memref<32x128xf32, #tpu.memory_space<vmem>>, vector<16xf32>,
        tpu.vector_store %arg9[%parallel_loop3A_220, %parallel_loop3A_221], %parallel_loop3A_219 {strides = array<i32>} : memref<32x128xf32, #tpu.memory_space<vmem>>, vector<16xf32>,
        %parallel_loop3A_223 = arith.constant 128 : i32
        %parallel_loop3A_224 = arith.muli %parallel_loop3A_212, %parallel_loop3A_223 : i32
        %parallel_loop3A_225 = arith.constant 16 : i32
        %parallel_loop3A_226 = arith.addi %parallel_loop3A_224, %parallel_loop3A_225 : i32
        %parallel_loop3A_227 = arith.index_cast %parallel_loop3A_226 : i32 to index
        %parallel_loop3A_228 = tpu.vector_load %arg7[%parallel_loop3A_227] {strides = array<i32>} : memref<4096xi32, #tpu.memory_space<vmem>>, vector<16xi32>,
        %parallel_loop3A_229 = tpu.vector_load_idx %arg6[%parallel_loop3A_228] : memref<100000xf32, #tpu.memory_space<vmem>>[vector<16xi32>], vector<16xf32>,
        %parallel_loop3A_230 = arith.index_cast %parallel_loop3A_212 : i32 to index
        %parallel_loop3A_231 = arith.constant 16 : index
        %parallel_loop3A_232 = tpu.vector_load %arg9[%parallel_loop3A_230, %parallel_loop3A_231] {strides = array<i32>} : memref<32x128xf32, #tpu.memory_space<vmem>>, vector<16xf32>,
        tpu.vector_store %arg9[%parallel_loop3A_230, %parallel_loop3A_231], %parallel_loop3A_229 {strides = array<i32>} : memref<32x128xf32, #tpu.memory_space<vmem>>, vector<16xf32>,
        %parallel_loop3A_233 = arith.constant 128 : i32
        %parallel_loop3A_234 = arith.muli %parallel_loop3A_212, %parallel_loop3A_233 : i32
        %parallel_loop3A_235 = arith.constant 32 : i32
        %parallel_loop3A_236 = arith.addi %parallel_loop3A_234, %parallel_loop3A_235 : i32
        %parallel_loop3A_237 = arith.index_cast %parallel_loop3A_236 : i32 to index
        %parallel_loop3A_238 = tpu.vector_load %arg7[%parallel_loop3A_237] {strides = array<i32>} : memref<4096xi32, #tpu.memory_space<vmem>>, vector<16xi32>,
        %parallel_loop3A_239 = tpu.vector_load_idx %arg6[%parallel_loop3A_238] : memref<100000xf32, #tpu.memory_space<vmem>>[vector<16xi32>], vector<16xf32>,
        %parallel_loop3A_240 = arith.index_cast %parallel_loop3A_212 : i32 to index
        %parallel_loop3A_241 = arith.constant 32 : index
        %parallel_loop3A_242 = tpu.vector_load %arg9[%parallel_loop3A_240, %parallel_loop3A_241] {strides = array<i32>} : memref<32x128xf32, #tpu.memory_space<vmem>>, vector<16xf32>,
        tpu.vector_store %arg9[%parallel_loop3A_240, %parallel_loop3A_241], %parallel_loop3A_239 {strides = array<i32>} : memref<32x128xf32, #tpu.memory_space<vmem>>, vector<16xf32>,
        %parallel_loop3A_243 = arith.constant 128 : i32
        %parallel_loop3A_244 = arith.muli %parallel_loop3A_212, %parallel_loop3A_243 : i32
        %parallel_loop3A_245 = arith.constant 48 : i32
        %parallel_loop3A_246 = arith.addi %parallel_loop3A_244, %parallel_loop3A_245 : i32
        %parallel_loop3A_247 = arith.index_cast %parallel_loop3A_246 : i32 to index
        %parallel_loop3A_248 = tpu.vector_load %arg7[%parallel_loop3A_247] {strides = array<i32>} : memref<4096xi32, #tpu.memory_space<vmem>>, vector<16xi32>,
        %parallel_loop3A_249 = tpu.vector_load_idx %arg6[%parallel_loop3A_248] : memref<100000xf32, #tpu.memory_space<vmem>>[vector<16xi32>], vector<16xf32>,
        %parallel_loop3A_250 = arith.index_cast %parallel_loop3A_212 : i32 to index
        %parallel_loop3A_251 = arith.constant 48 : index
        %parallel_loop3A_252 = tpu.vector_load %arg9[%parallel_loop3A_250, %parallel_loop3A_251] {strides = array<i32>} : memref<32x128xf32, #tpu.memory_space<vmem>>, vector<16xf32>,
        tpu.vector_store %arg9[%parallel_loop3A_250, %parallel_loop3A_251], %parallel_loop3A_249 {strides = array<i32>} : memref<32x128xf32, #tpu.memory_space<vmem>>, vector<16xf32>,
        %parallel_loop3A_253 = arith.constant 128 : i32
        %parallel_loop3A_254 = arith.muli %parallel_loop3A_212, %parallel_loop3A_253 : i32
        %parallel_loop3A_255 = arith.constant 64 : i32
        %parallel_loop3A_256 = arith.addi %parallel_loop3A_254, %parallel_loop3A_255 : i32
        %parallel_loop3A_257 = arith.index_cast %parallel_loop3A_256 : i32 to index
        %parallel_loop3A_258 = tpu.vector_load %arg7[%parallel_loop3A_257] {strides = array<i32>} : memref<4096xi32, #tpu.memory_space<vmem>>, vector<16xi32>,
        %parallel_loop3A_259 = tpu.vector_load_idx %arg6[%parallel_loop3A_258] : memref<100000xf32, #tpu.memory_space<vmem>>[vector<16xi32>], vector<16xf32>,
        %parallel_loop3A_260 = arith.index_cast %parallel_loop3A_212 : i32 to index
        %parallel_loop3A_261 = arith.constant 64 : index
        %parallel_loop3A_262 = tpu.vector_load %arg9[%parallel_loop3A_260, %parallel_loop3A_261] {strides = array<i32>} : memref<32x128xf32, #tpu.memory_space<vmem>>, vector<16xf32>,
        tpu.vector_store %arg9[%parallel_loop3A_260, %parallel_loop3A_261], %parallel_loop3A_259 {strides = array<i32>} : memref<32x128xf32, #tpu.memory_space<vmem>>, vector<16xf32>,
        %parallel_loop3A_263 = arith.constant 128 : i32
        %parallel_loop3A_264 = arith.muli %parallel_loop3A_212, %parallel_loop3A_263 : i32
        %parallel_loop3A_265 = arith.constant 80 : i32
        %parallel_loop3A_266 = arith.addi %parallel_loop3A_264, %parallel_loop3A_265 : i32
        %parallel_loop3A_267 = arith.index_cast %parallel_loop3A_266 : i32 to index
        %parallel_loop3A_268 = tpu.vector_load %arg7[%parallel_loop3A_267] {strides = array<i32>} : memref<4096xi32, #tpu.memory_space<vmem>>, vector<16xi32>,
        %parallel_loop3A_269 = tpu.vector_load_idx %arg6[%parallel_loop3A_268] : memref<100000xf32, #tpu.memory_space<vmem>>[vector<16xi32>], vector<16xf32>,
        %parallel_loop3A_270 = arith.index_cast %parallel_loop3A_212 : i32 to index
        %parallel_loop3A_271 = arith.constant 80 : index
        %parallel_loop3A_272 = tpu.vector_load %arg9[%parallel_loop3A_270, %parallel_loop3A_271] {strides = array<i32>} : memref<32x128xf32, #tpu.memory_space<vmem>>, vector<16xf32>,
        tpu.vector_store %arg9[%parallel_loop3A_270, %parallel_loop3A_271], %parallel_loop3A_269 {strides = array<i32>} : memref<32x128xf32, #tpu.memory_space<vmem>>, vector<16xf32>,
        %parallel_loop3A_273 = arith.constant 128 : i32
        %parallel_loop3A_274 = arith.muli %parallel_loop3A_212, %parallel_loop3A_273 : i32
        %parallel_loop3A_275 = arith.constant 96 : i32
        %parallel_loop3A_276 = arith.addi %parallel_loop3A_274, %parallel_loop3A_275 : i32
        %parallel_loop3A_277 = arith.index_cast %parallel_loop3A_276 : i32 to index
        %parallel_loop3A_278 = tpu.vector_load %arg7[%parallel_loop3A_277] {strides = array<i32>} : memref<4096xi32, #tpu.memory_space<vmem>>, vector<16xi32>,
        %parallel_loop3A_279 = tpu.vector_load_idx %arg6[%parallel_loop3A_278] : memref<100000xf32, #tpu.memory_space<vmem>>[vector<16xi32>], vector<16xf32>,
        %parallel_loop3A_280 = arith.index_cast %parallel_loop3A_212 : i32 to index
        %parallel_loop3A_281 = arith.constant 96 : index
        %parallel_loop3A_282 = tpu.vector_load %arg9[%parallel_loop3A_280, %parallel_loop3A_281] {strides = array<i32>} : memref<32x128xf32, #tpu.memory_space<vmem>>, vector<16xf32>,
        tpu.vector_store %arg9[%parallel_loop3A_280, %parallel_loop3A_281], %parallel_loop3A_279 {strides = array<i32>} : memref<32x128xf32, #tpu.memory_space<vmem>>, vector<16xf32>,
        %parallel_loop3A_283 = arith.constant 128 : i32
        %parallel_loop3A_284 = arith.muli %parallel_loop3A_212, %parallel_loop3A_283 : i32
        %parallel_loop3A_285 = arith.constant 112 : i32
        %parallel_loop3A_286 = arith.addi %parallel_loop3A_284, %parallel_loop3A_285 : i32
        %parallel_loop3A_287 = arith.index_cast %parallel_loop3A_286 : i32 to index
        %parallel_loop3A_288 = tpu.vector_load %arg7[%parallel_loop3A_287] {strides = array<i32>} : memref<4096xi32, #tpu.memory_space<vmem>>, vector<16xi32>,
        %parallel_loop3A_289 = tpu.vector_load_idx %arg6[%parallel_loop3A_288] : memref<100000xf32, #tpu.memory_space<vmem>>[vector<16xi32>], vector<16xf32>,
        %parallel_loop3A_290 = arith.index_cast %parallel_loop3A_212 : i32 to index
        %parallel_loop3A_291 = arith.constant 112 : index
        %parallel_loop3A_292 = tpu.vector_load %arg9[%parallel_loop3A_290, %parallel_loop3A_291] {strides = array<i32>} : memref<32x128xf32, #tpu.memory_space<vmem>>, vector<16xf32>,
        tpu.vector_store %arg9[%parallel_loop3A_290, %parallel_loop3A_291], %parallel_loop3A_289 {strides = array<i32>} : memref<32x128xf32, #tpu.memory_space<vmem>>, vector<16xf32>,
      } {sc.loop_unroll_factor = 2 : i64, sc.parallel_access}
      %dma_start3A_169 = arith.constant 0 : i32
      %dma_start3A_170 = arith.constant 0 : i32
      %dma_start3A_171 = tpu.memref_slice %arg4[%mul3A_155, %select_n3A, %dma_start3A_169, %select_n3A_37, %dma_start3A_170] : memref<50x8x32x8x128xf32, #tpu.memory_space<hbm>> -> memref<1x1x32x1x128xf32, #tpu.memory_space<hbm>>
      %dma_start3A_172 = tpu.memref_squeeze %dma_start3A_171 : memref<1x1x32x1x128xf32, #tpu.memory_space<hbm>> -> memref<32x128xf32, #tpu.memory_space<hbm>>
      %dma_start3A_173 = arith.constant 0 : i32
      %dma_start3A_174 = arith.constant 0 : i32
      %dma_start3A_175 = tpu.memref_slice %arg4[%mul3A_155, %select_n3A, %dma_start3A_173, %select_n3A_37, %dma_start3A_174] : memref<50x8x32x8x128xf32, #tpu.memory_space<hbm>> -> memref<1x1x32x1x128xf32, #tpu.memory_space<hbm>>
      %dma_start3A_176 = tpu.memref_squeeze %dma_start3A_175 : memref<1x1x32x1x128xf32, #tpu.memory_space<hbm>> -> memref<32x128xf32, #tpu.memory_space<hbm>>
      tpu.enqueue_dma source(%arg9 : memref<32x128xf32, #tpu.memory_space<vmem>>) target(%dma_start3A_176 : memref<32x128xf32, #tpu.memory_space<hbm>>) target_semaphore(%arg13 : memref<!tpu.dma_semaphore, #tpu.memory_space<semaphore_mem>>)
      %lt3A_177 = arith.constant 24 : i32
      %lt3A_178 = arith.cmpi slt, %scan3A_153, %lt3A_177 : i32
      %convert_element_type3A_179 = arith.extui %lt3A_178 : i1 to i32
      %cond3A_180 = arith.constant 0 : i32
      %cond3A_181 = arith.cmpi ne, %convert_element_type3A_179, %cond3A_180 : i32
      scf.if %cond3A_181 {
        %add3A_212 = arith.constant 2 : i32
        %add3A_213 = arith.addi %mul3A_155, %add3A_212 : i32
        %dma_start3A_214 = arith.constant 0 : i32
        %dma_start3A_215 = tpu.memref_slice %arg5[%add3A_213, %dma_start3A_214] : memref<50x4096xi32, #tpu.memory_space<vmem_shared>> -> memref<1x4096xi32, #tpu.memory_space<vmem_shared>>
        %dma_start3A_216 = tpu.memref_squeeze %dma_start3A_215 : memref<1x4096xi32, #tpu.memory_space<vmem_shared>> -> memref<4096xi32, #tpu.memory_space<vmem_shared>>
        %dma_start3A_217 = arith.constant 0 : i32
        %dma_start3A_218 = tpu.memref_slice %arg5[%add3A_213, %dma_start3A_217] : memref<50x4096xi32, #tpu.memory_space<vmem_shared>> -> memref<1x4096xi32, #tpu.memory_space<vmem_shared>>
        %dma_start3A_219 = tpu.memref_squeeze %dma_start3A_218 : memref<1x4096xi32, #tpu.memory_space<vmem_shared>> -> memref<4096xi32, #tpu.memory_space<vmem_shared>>
        tpu.enqueue_dma source(%dma_start3A_219 : memref<4096xi32, #tpu.memory_space<vmem_shared>>) target(%arg7 : memref<4096xi32, #tpu.memory_space<vmem>>) target_semaphore(%arg11 : memref<!tpu.dma_semaphore, #tpu.memory_space<semaphore_mem>>)
      } else {
      }
      %gt3A_182 = arith.constant 0 : i32
      %gt3A_183 = arith.cmpi sgt, %scan3A_153, %gt3A_182 : i32
      %convert_element_type3A_184 = arith.extui %gt3A_183 : i1 to i32
      %cond3A_185 = arith.constant 0 : i32
      %cond3A_186 = arith.cmpi ne, %convert_element_type3A_184, %cond3A_185 : i32
      scf.if %cond3A_186 {
        %dma_wait3A_212 = arith.constant 0 : i32
        %dma_wait3A_213 = arith.constant 0 : i32
        %dma_wait3A_214 = tpu.memref_slice %arg4[%mul3A_155, %select_n3A, %dma_wait3A_212, %select_n3A_37, %dma_wait3A_213] : memref<50x8x32x8x128xf32, #tpu.memory_space<hbm>> -> memref<1x1x32x1x128xf32, #tpu.memory_space<hbm>>
        %dma_wait3A_215 = tpu.memref_squeeze %dma_wait3A_214 : memref<1x1x32x1x128xf32, #tpu.memory_space<hbm>> -> memref<32x128xf32, #tpu.memory_space<hbm>>
        %dma_wait3A_216 = arith.constant 0 : i32
        %dma_wait3A_217 = arith.constant 0 : i32
        %dma_wait3A_218 = tpu.memref_slice %arg4[%mul3A_155, %select_n3A, %dma_wait3A_216, %select_n3A_37, %dma_wait3A_217] : memref<50x8x32x8x128xf32, #tpu.memory_space<hbm>> -> memref<1x1x32x1x128xf32, #tpu.memory_space<hbm>>
        %dma_wait3A_219 = tpu.memref_squeeze %dma_wait3A_218 : memref<1x1x32x1x128xf32, #tpu.memory_space<hbm>> -> memref<32x128xf32, #tpu.memory_space<hbm>>
        tpu.wait_dma2 semaphore(%arg14 : memref<!tpu.dma_semaphore, #tpu.memory_space<semaphore_mem>>) src(%arg10 : memref<32x128xf32, #tpu.memory_space<vmem>>) dst(%dma_wait3A_219 : memref<32x128xf32, #tpu.memory_space<hbm>>)
      } else {
      }
      %add3A_187 = arith.constant 1 : i32
      %add3A_188 = arith.addi %mul3A_155, %add3A_187 : i32
      %dma_wait3A_189 = arith.constant 0 : i32
      %dma_wait3A_190 = arith.constant 0 : i32
      %dma_wait3A_191 = tpu.memref_slice %arg5[%dma_wait3A_189, %dma_wait3A_190] : memref<50x4096xi32, #tpu.memory_space<vmem_shared>> -> memref<1x4096xi32, #tpu.memory_space<vmem_shared>>
      %dma_wait3A_192 = tpu.memref_squeeze %dma_wait3A_191 : memref<1x4096xi32, #tpu.memory_space<vmem_shared>> -> memref<4096xi32, #tpu.memory_space<vmem_shared>>
      %dma_wait3A_193 = arith.constant 0 : i32
      %dma_wait3A_194 = tpu.memref_slice %arg5[%dma_wait3A_189, %dma_wait3A_193] : memref<50x4096xi32, #tpu.memory_space<vmem_shared>> -> memref<1x4096xi32, #tpu.memory_space<vmem_shared>>
      %dma_wait3A_195 = tpu.memref_squeeze %dma_wait3A_194 : memref<1x4096xi32, #tpu.memory_space<vmem_shared>> -> memref<4096xi32, #tpu.memory_space<vmem_shared>>
      tpu.wait_dma2 semaphore(%arg12 : memref<!tpu.dma_semaphore, #tpu.memory_space<semaphore_mem>>) src(%dma_wait3A_195 : memref<4096xi32, #tpu.memory_space<vmem_shared>>) dst(%arg8 : memref<4096xi32, #tpu.memory_space<vmem>>)
      %parallel_loop3A_196 = arith.constant 0 : i32
      %parallel_loop3A_197 = arith.constant 32 : i32
      %parallel_loop3A_198 = arith.constant 1 : i32
      scf.for %parallel_loop3A_212 = %parallel_loop3A_196 to %parallel_loop3A_197 step %parallel_loop3A_198  : i32 {
        %parallel_loop3A_213 = arith.constant 128 : i32
        %parallel_loop3A_214 = arith.muli %parallel_loop3A_212, %parallel_loop3A_213 : i32
        %parallel_loop3A_215 = arith.constant 0 : i32
        %parallel_loop3A_216 = arith.addi %parallel_loop3A_214, %parallel_loop3A_215 : i32
        %parallel_loop3A_217 = arith.index_cast %parallel_loop3A_216 : i32 to index
        %parallel_loop3A_218 = tpu.vector_load %arg8[%parallel_loop3A_217] {strides = array<i32>} : memref<4096xi32, #tpu.memory_space<vmem>>, vector<16xi32>,
        %parallel_loop3A_219 = tpu.vector_load_idx %arg6[%parallel_loop3A_218] : memref<100000xf32, #tpu.memory_space<vmem>>[vector<16xi32>], vector<16xf32>,
        %parallel_loop3A_220 = arith.index_cast %parallel_loop3A_212 : i32 to index
        %parallel_loop3A_221 = arith.constant 0 : index
        %parallel_loop3A_222 = tpu.vector_load %arg10[%parallel_loop3A_220, %parallel_loop3A_221] {strides = array<i32>} : memref<32x128xf32, #tpu.memory_space<vmem>>, vector<16xf32>,
        tpu.vector_store %arg10[%parallel_loop3A_220, %parallel_loop3A_221], %parallel_loop3A_219 {strides = array<i32>} : memref<32x128xf32, #tpu.memory_space<vmem>>, vector<16xf32>,
        %parallel_loop3A_223 = arith.constant 128 : i32
        %parallel_loop3A_224 = arith.muli %parallel_loop3A_212, %parallel_loop3A_223 : i32
        %parallel_loop3A_225 = arith.constant 16 : i32
        %parallel_loop3A_226 = arith.addi %parallel_loop3A_224, %parallel_loop3A_225 : i32
        %parallel_loop3A_227 = arith.index_cast %parallel_loop3A_226 : i32 to index
        %parallel_loop3A_228 = tpu.vector_load %arg8[%parallel_loop3A_227] {strides = array<i32>} : memref<4096xi32, #tpu.memory_space<vmem>>, vector<16xi32>,
        %parallel_loop3A_229 = tpu.vector_load_idx %arg6[%parallel_loop3A_228] : memref<100000xf32, #tpu.memory_space<vmem>>[vector<16xi32>], vector<16xf32>,
        %parallel_loop3A_230 = arith.index_cast %parallel_loop3A_212 : i32 to index
        %parallel_loop3A_231 = arith.constant 16 : index
        %parallel_loop3A_232 = tpu.vector_load %arg10[%parallel_loop3A_230, %parallel_loop3A_231] {strides = array<i32>} : memref<32x128xf32, #tpu.memory_space<vmem>>, vector<16xf32>,
        tpu.vector_store %arg10[%parallel_loop3A_230, %parallel_loop3A_231], %parallel_loop3A_229 {strides = array<i32>} : memref<32x128xf32, #tpu.memory_space<vmem>>, vector<16xf32>,
        %parallel_loop3A_233 = arith.constant 128 : i32
        %parallel_loop3A_234 = arith.muli %parallel_loop3A_212, %parallel_loop3A_233 : i32
        %parallel_loop3A_235 = arith.constant 32 : i32
        %parallel_loop3A_236 = arith.addi %parallel_loop3A_234, %parallel_loop3A_235 : i32
        %parallel_loop3A_237 = arith.index_cast %parallel_loop3A_236 : i32 to index
        %parallel_loop3A_238 = tpu.vector_load %arg8[%parallel_loop3A_237] {strides = array<i32>} : memref<4096xi32, #tpu.memory_space<vmem>>, vector<16xi32>,
        %parallel_loop3A_239 = tpu.vector_load_idx %arg6[%parallel_loop3A_238] : memref<100000xf32, #tpu.memory_space<vmem>>[vector<16xi32>], vector<16xf32>,
        %parallel_loop3A_240 = arith.index_cast %parallel_loop3A_212 : i32 to index
        %parallel_loop3A_241 = arith.constant 32 : index
        %parallel_loop3A_242 = tpu.vector_load %arg10[%parallel_loop3A_240, %parallel_loop3A_241] {strides = array<i32>} : memref<32x128xf32, #tpu.memory_space<vmem>>, vector<16xf32>,
        tpu.vector_store %arg10[%parallel_loop3A_240, %parallel_loop3A_241], %parallel_loop3A_239 {strides = array<i32>} : memref<32x128xf32, #tpu.memory_space<vmem>>, vector<16xf32>,
        %parallel_loop3A_243 = arith.constant 128 : i32
        %parallel_loop3A_244 = arith.muli %parallel_loop3A_212, %parallel_loop3A_243 : i32
        %parallel_loop3A_245 = arith.constant 48 : i32
        %parallel_loop3A_246 = arith.addi %parallel_loop3A_244, %parallel_loop3A_245 : i32
        %parallel_loop3A_247 = arith.index_cast %parallel_loop3A_246 : i32 to index
        %parallel_loop3A_248 = tpu.vector_load %arg8[%parallel_loop3A_247] {strides = array<i32>} : memref<4096xi32, #tpu.memory_space<vmem>>, vector<16xi32>,
        %parallel_loop3A_249 = tpu.vector_load_idx %arg6[%parallel_loop3A_248] : memref<100000xf32, #tpu.memory_space<vmem>>[vector<16xi32>], vector<16xf32>,
        %parallel_loop3A_250 = arith.index_cast %parallel_loop3A_212 : i32 to index
        %parallel_loop3A_251 = arith.constant 48 : index
        %parallel_loop3A_252 = tpu.vector_load %arg10[%parallel_loop3A_250, %parallel_loop3A_251] {strides = array<i32>} : memref<32x128xf32, #tpu.memory_space<vmem>>, vector<16xf32>,
        tpu.vector_store %arg10[%parallel_loop3A_250, %parallel_loop3A_251], %parallel_loop3A_249 {strides = array<i32>} : memref<32x128xf32, #tpu.memory_space<vmem>>, vector<16xf32>,
        %parallel_loop3A_253 = arith.constant 128 : i32
        %parallel_loop3A_254 = arith.muli %parallel_loop3A_212, %parallel_loop3A_253 : i32
        %parallel_loop3A_255 = arith.constant 64 : i32
        %parallel_loop3A_256 = arith.addi %parallel_loop3A_254, %parallel_loop3A_255 : i32
        %parallel_loop3A_257 = arith.index_cast %parallel_loop3A_256 : i32 to index
        %parallel_loop3A_258 = tpu.vector_load %arg8[%parallel_loop3A_257] {strides = array<i32>} : memref<4096xi32, #tpu.memory_space<vmem>>, vector<16xi32>,
        %parallel_loop3A_259 = tpu.vector_load_idx %arg6[%parallel_loop3A_258] : memref<100000xf32, #tpu.memory_space<vmem>>[vector<16xi32>], vector<16xf32>,
        %parallel_loop3A_260 = arith.index_cast %parallel_loop3A_212 : i32 to index
        %parallel_loop3A_261 = arith.constant 64 : index
        %parallel_loop3A_262 = tpu.vector_load %arg10[%parallel_loop3A_260, %parallel_loop3A_261] {strides = array<i32>} : memref<32x128xf32, #tpu.memory_space<vmem>>, vector<16xf32>,
        tpu.vector_store %arg10[%parallel_loop3A_260, %parallel_loop3A_261], %parallel_loop3A_259 {strides = array<i32>} : memref<32x128xf32, #tpu.memory_space<vmem>>, vector<16xf32>,
        %parallel_loop3A_263 = arith.constant 128 : i32
        %parallel_loop3A_264 = arith.muli %parallel_loop3A_212, %parallel_loop3A_263 : i32
        %parallel_loop3A_265 = arith.constant 80 : i32
        %parallel_loop3A_266 = arith.addi %parallel_loop3A_264, %parallel_loop3A_265 : i32
        %parallel_loop3A_267 = arith.index_cast %parallel_loop3A_266 : i32 to index
        %parallel_loop3A_268 = tpu.vector_load %arg8[%parallel_loop3A_267] {strides = array<i32>} : memref<4096xi32, #tpu.memory_space<vmem>>, vector<16xi32>,
        %parallel_loop3A_269 = tpu.vector_load_idx %arg6[%parallel_loop3A_268] : memref<100000xf32, #tpu.memory_space<vmem>>[vector<16xi32>], vector<16xf32>,
        %parallel_loop3A_270 = arith.index_cast %parallel_loop3A_212 : i32 to index
        %parallel_loop3A_271 = arith.constant 80 : index
        %parallel_loop3A_272 = tpu.vector_load %arg10[%parallel_loop3A_270, %parallel_loop3A_271] {strides = array<i32>} : memref<32x128xf32, #tpu.memory_space<vmem>>, vector<16xf32>,
        tpu.vector_store %arg10[%parallel_loop3A_270, %parallel_loop3A_271], %parallel_loop3A_269 {strides = array<i32>} : memref<32x128xf32, #tpu.memory_space<vmem>>, vector<16xf32>,
        %parallel_loop3A_273 = arith.constant 128 : i32
        %parallel_loop3A_274 = arith.muli %parallel_loop3A_212, %parallel_loop3A_273 : i32
        %parallel_loop3A_275 = arith.constant 96 : i32
        %parallel_loop3A_276 = arith.addi %parallel_loop3A_274, %parallel_loop3A_275 : i32
        %parallel_loop3A_277 = arith.index_cast %parallel_loop3A_276 : i32 to index
        %parallel_loop3A_278 = tpu.vector_load %arg8[%parallel_loop3A_277] {strides = array<i32>} : memref<4096xi32, #tpu.memory_space<vmem>>, vector<16xi32>,
        %parallel_loop3A_279 = tpu.vector_load_idx %arg6[%parallel_loop3A_278] : memref<100000xf32, #tpu.memory_space<vmem>>[vector<16xi32>], vector<16xf32>,
        %parallel_loop3A_280 = arith.index_cast %parallel_loop3A_212 : i32 to index
        %parallel_loop3A_281 = arith.constant 96 : index
        %parallel_loop3A_282 = tpu.vector_load %arg10[%parallel_loop3A_280, %parallel_loop3A_281] {strides = array<i32>} : memref<32x128xf32, #tpu.memory_space<vmem>>, vector<16xf32>,
        tpu.vector_store %arg10[%parallel_loop3A_280, %parallel_loop3A_281], %parallel_loop3A_279 {strides = array<i32>} : memref<32x128xf32, #tpu.memory_space<vmem>>, vector<16xf32>,
        %parallel_loop3A_283 = arith.constant 128 : i32
        %parallel_loop3A_284 = arith.muli %parallel_loop3A_212, %parallel_loop3A_283 : i32
        %parallel_loop3A_285 = arith.constant 112 : i32
        %parallel_loop3A_286 = arith.addi %parallel_loop3A_284, %parallel_loop3A_285 : i32
        %parallel_loop3A_287 = arith.index_cast %parallel_loop3A_286 : i32 to index
        %parallel_loop3A_288 = tpu.vector_load %arg8[%parallel_loop3A_287] {strides = array<i32>} : memref<4096xi32, #tpu.memory_space<vmem>>, vector<16xi32>,
        %parallel_loop3A_289 = tpu.vector_load_idx %arg6[%parallel_loop3A_288] : memref<100000xf32, #tpu.memory_space<vmem>>[vector<16xi32>], vector<16xf32>,
        %parallel_loop3A_290 = arith.index_cast %parallel_loop3A_212 : i32 to index
        %parallel_loop3A_291 = arith.constant 112 : index
        %parallel_loop3A_292 = tpu.vector_load %arg10[%parallel_loop3A_290, %parallel_loop3A_291] {strides = array<i32>} : memref<32x128xf32, #tpu.memory_space<vmem>>, vector<16xf32>,
        tpu.vector_store %arg10[%parallel_loop3A_290, %parallel_loop3A_291], %parallel_loop3A_289 {strides = array<i32>} : memref<32x128xf32, #tpu.memory_space<vmem>>, vector<16xf32>,
      } {sc.loop_unroll_factor = 2 : i64, sc.parallel_access}
      %dma_start3A_199 = arith.constant 0 : i32
      %dma_start3A_200 = arith.constant 0 : i32
      %dma_start3A_201 = tpu.memref_slice %arg4[%add3A_188, %select_n3A, %dma_start3A_199, %select_n3A_37, %dma_start3A_200] : memref<50x8x32x8x128xf32, #tpu.memory_space<hbm>> -> memref<1x1x32x1x128xf32, #tpu.memory_space<hbm>>
      %dma_start3A_202 = tpu.memref_squeeze %dma_start3A_201 : memref<1x1x32x1x128xf32, #tpu.memory_space<hbm>> -> memref<32x128xf32, #tpu.memory_space<hbm>>
      %dma_start3A_203 = arith.constant 0 : i32
      %dma_start3A_204 = arith.constant 0 : i32
      %dma_start3A_205 = tpu.memref_slice %arg4[%add3A_188, %select_n3A, %dma_start3A_203, %select_n3A_37, %dma_start3A_204] : memref<50x8x32x8x128xf32, #tpu.memory_space<hbm>> -> memref<1x1x32x1x128xf32, #tpu.memory_space<hbm>>
      %dma_start3A_206 = tpu.memref_squeeze %dma_start3A_205 : memref<1x1x32x1x128xf32, #tpu.memory_space<hbm>> -> memref<32x128xf32, #tpu.memory_space<hbm>>
      tpu.enqueue_dma source(%arg10 : memref<32x128xf32, #tpu.memory_space<vmem>>) target(%dma_start3A_206 : memref<32x128xf32, #tpu.memory_space<hbm>>) target_semaphore(%arg14 : memref<!tpu.dma_semaphore, #tpu.memory_space<semaphore_mem>>)
      %lt3A_207 = arith.constant 24 : i32
      %lt3A_208 = arith.cmpi slt, %scan3A_153, %lt3A_207 : i32
      %convert_element_type3A_209 = arith.extui %lt3A_208 : i1 to i32
      %cond3A_210 = arith.constant 0 : i32
      %cond3A_211 = arith.cmpi ne, %convert_element_type3A_209, %cond3A_210 : i32
      scf.if %cond3A_211 {
        %add3A_212 = arith.constant 3 : i32
        %add3A_213 = arith.addi %mul3A_155, %add3A_212 : i32
        %dma_start3A_214 = arith.constant 0 : i32
        %dma_start3A_215 = tpu.memref_slice %arg5[%add3A_213, %dma_start3A_214] : memref<50x4096xi32, #tpu.memory_space<vmem_shared>> -> memref<1x4096xi32, #tpu.memory_space<vmem_shared>>
        %dma_start3A_216 = tpu.memref_squeeze %dma_start3A_215 : memref<1x4096xi32, #tpu.memory_space<vmem_shared>> -> memref<4096xi32, #tpu.memory_space<vmem_shared>>
        %dma_start3A_217 = arith.constant 0 : i32
        %dma_start3A_218 = tpu.memref_slice %arg5[%add3A_213, %dma_start3A_217] : memref<50x4096xi32, #tpu.memory_space<vmem_shared>> -> memref<1x4096xi32, #tpu.memory_space<vmem_shared>>
        %dma_start3A_219 = tpu.memref_squeeze %dma_start3A_218 : memref<1x4096xi32, #tpu.memory_space<vmem_shared>> -> memref<4096xi32, #tpu.memory_space<vmem_shared>>
        tpu.enqueue_dma source(%dma_start3A_219 : memref<4096xi32, #tpu.memory_space<vmem_shared>>) target(%arg8 : memref<4096xi32, #tpu.memory_space<vmem>>) target_semaphore(%arg12 : memref<!tpu.dma_semaphore, #tpu.memory_space<semaphore_mem>>)
      } else {
      }
    }
    %scan3A_54 = arith.constant 25 : i32
    %dma_wait3A = arith.constant 0 : i32
    %dma_wait3A_55 = arith.constant 0 : i32
    %dma_wait3A_56 = arith.constant 0 : i32
    %dma_wait3A_57 = tpu.memref_slice %arg4[%dma_wait3A, %select_n3A, %dma_wait3A_55, %select_n3A_37, %dma_wait3A_56] : memref<50x8x32x8x128xf32, #tpu.memory_space<hbm>> -> memref<1x1x32x1x128xf32, #tpu.memory_space<hbm>>
    %dma_wait3A_58 = tpu.memref_squeeze %dma_wait3A_57 : memref<1x1x32x1x128xf32, #tpu.memory_space<hbm>> -> memref<32x128xf32, #tpu.memory_space<hbm>>
    %dma_wait3A_59 = arith.constant 0 : i32
    %dma_wait3A_60 = arith.constant 0 : i32
    %dma_wait3A_61 = tpu.memref_slice %arg4[%dma_wait3A, %select_n3A, %dma_wait3A_59, %select_n3A_37, %dma_wait3A_60] : memref<50x8x32x8x128xf32, #tpu.memory_space<hbm>> -> memref<1x1x32x1x128xf32, #tpu.memory_space<hbm>>
    %dma_wait3A_62 = tpu.memref_squeeze %dma_wait3A_61 : memref<1x1x32x1x128xf32, #tpu.memory_space<hbm>> -> memref<32x128xf32, #tpu.memory_space<hbm>>
    tpu.wait_dma2 semaphore(%arg13 : memref<!tpu.dma_semaphore, #tpu.memory_space<semaphore_mem>>) src(%arg9 : memref<32x128xf32, #tpu.memory_space<vmem>>) dst(%dma_wait3A_62 : memref<32x128xf32, #tpu.memory_space<hbm>>)
    %dma_wait3A_63 = arith.constant 0 : i32
    %dma_wait3A_64 = arith.constant 0 : i32
    %dma_wait3A_65 = arith.constant 0 : i32
    %dma_wait3A_66 = tpu.memref_slice %arg4[%dma_wait3A_63, %select_n3A, %dma_wait3A_64, %select_n3A_37, %dma_wait3A_65] : memref<50x8x32x8x128xf32, #tpu.memory_space<hbm>> -> memref<1x1x32x1x128xf32, #tpu.memory_space<hbm>>
    %dma_wait3A_67 = tpu.memref_squeeze %dma_wait3A_66 : memref<1x1x32x1x128xf32, #tpu.memory_space<hbm>> -> memref<32x128xf32, #tpu.memory_space<hbm>>
    %dma_wait3A_68 = arith.constant 0 : i32
    %dma_wait3A_69 = arith.constant 0 : i32
    %dma_wait3A_70 = tpu.memref_slice %arg4[%dma_wait3A_63, %select_n3A, %dma_wait3A_68, %select_n3A_37, %dma_wait3A_69] : memref<50x8x32x8x128xf32, #tpu.memory_space<hbm>> -> memref<1x1x32x1x128xf32, #tpu.memory_space<hbm>>
    %dma_wait3A_71 = tpu.memref_squeeze %dma_wait3A_70 : memref<1x1x32x1x128xf32, #tpu.memory_space<hbm>> -> memref<32x128xf32, #tpu.memory_space<hbm>>
    tpu.wait_dma2 semaphore(%arg14 : memref<!tpu.dma_semaphore, #tpu.memory_space<semaphore_mem>>) src(%arg10 : memref<32x128xf32, #tpu.memory_space<vmem>>) dst(%dma_wait3A_71 : memref<32x128xf32, #tpu.memory_space<hbm>>)
    %mul3A_72 = arith.constant 2 : i32
    %mul3A_73 = arith.muli %mul3A_72, %add3A : i32
    %add3A_74 = arith.constant 1 : i32
    %add3A_75 = arith.addi %mul3A_73, %add3A_74 : i32
    %jit3A_76 = arith.constant 8 : i32
    %div3A_77 = arith.divsi %add3A_75, %jit3A_76 : i32
    %sign3A_78 = arith.constant 0 : i32
    %sign3A_79 = arith.cmpi sgt, %add3A_75, %sign3A_78 : i32
    %sign3A_80 = arith.extui %sign3A_79 : i1 to i32
    %sign3A_81 = arith.constant 0 : i32
    %sign3A_82 = arith.cmpi slt, %add3A_75, %sign3A_81 : i32
    %sign3A_83 = arith.extui %sign3A_82 : i1 to i32
    %sign3A_84 = arith.subi %sign3A_80, %sign3A_83 : i32
    %sign3A_85 = arith.constant 0 : i32
    %sign3A_86 = arith.cmpi sgt, %jit3A_76, %sign3A_85 : i32
    %sign3A_87 = arith.extui %sign3A_86 : i1 to i32
    %sign3A_88 = arith.constant 0 : i32
    %sign3A_89 = arith.cmpi slt, %jit3A_76, %sign3A_88 : i32
    %sign3A_90 = arith.extui %sign3A_89 : i1 to i32
    %sign3A_91 = arith.subi %sign3A_87, %sign3A_90 : i32
    %ne3A_92 = arith.cmpi ne, %sign3A_84, %sign3A_91 : i32
    %rem3A_93 = arith.remsi %add3A_75, %jit3A_76 : i32
    %ne3A_94 = arith.constant 0 : i32
    %ne3A_95 = arith.cmpi ne, %rem3A_93, %ne3A_94 : i32
    %and3A_96 = arith.andi %ne3A_92, %ne3A_95 : i1
    %sub3A_97 = arith.constant 1 : i32
    %sub3A_98 = arith.subi %div3A_77, %sub3A_97 : i32
    %select_n3A_99 = arith.select %and3A_96, %sub3A_98, %div3A_77 : i32
    %jit3A_100 = arith.constant 8 : i32
    %eq3A_101 = arith.constant 0 : i32
    %eq3A_102 = arith.cmpi eq, %jit3A_100, %eq3A_101 : i32
    %jit3A_103 = arith.constant 1 : i32
    %select_n3A_104 = arith.select %eq3A_102, %jit3A_103, %jit3A_100 : i32
    %rem3A_105 = arith.remsi %add3A_75, %select_n3A_104 : i32
    %ne3A_106 = arith.constant 0 : i32
    %ne3A_107 = arith.cmpi ne, %rem3A_105, %ne3A_106 : i32
    %lt3A_108 = arith.constant 0 : i32
    %lt3A_109 = arith.cmpi slt, %rem3A_105, %lt3A_108 : i32
    %lt3A_110 = arith.constant 0 : i32
    %lt3A_111 = arith.cmpi slt, %select_n3A_104, %lt3A_110 : i32
    %ne3A_112 = arith.xori %lt3A_109, %lt3A_111 : i1
    %and3A_113 = arith.andi %ne3A_112, %ne3A_107 : i1
    %add3A_114 = arith.addi %rem3A_105, %select_n3A_104 : i32
    %select_n3A_115 = arith.select %and3A_113, %add3A_114, %rem3A_105 : i32
    "tpu.region"() ({
      %run_scoped3A = tpu.sem_alloc : memref<!tpu.dma_semaphore, #tpu.memory_space<semaphore_mem>>
      %dma_start3A_153 = arith.constant 0 : i32
      %dma_start3A_154 = tpu.memref_slice %arg3[%add3A_75, %dma_start3A_153] : memref<64x100000xf32, #tpu.memory_space<hbm>> -> memref<1x100000xf32, #tpu.memory_space<hbm>>
      %dma_start3A_155 = tpu.memref_squeeze %dma_start3A_154 : memref<1x100000xf32, #tpu.memory_space<hbm>> -> memref<100000xf32, #tpu.memory_space<hbm>>
      %dma_start3A_156 = arith.constant 0 : i32
      %dma_start3A_157 = tpu.memref_slice %arg3[%add3A_75, %dma_start3A_156] : memref<64x100000xf32, #tpu.memory_space<hbm>> -> memref<1x100000xf32, #tpu.memory_space<hbm>>
      %dma_start3A_158 = tpu.memref_squeeze %dma_start3A_157 : memref<1x100000xf32, #tpu.memory_space<hbm>> -> memref<100000xf32, #tpu.memory_space<hbm>>
      tpu.enqueue_dma source(%dma_start3A_158 : memref<100000xf32, #tpu.memory_space<hbm>>) target(%arg6 : memref<100000xf32, #tpu.memory_space<vmem>>) target_semaphore(%run_scoped3A : memref<!tpu.dma_semaphore, #tpu.memory_space<semaphore_mem>>)
      %dma_wait3A_159 = arith.constant 0 : i32
      %dma_wait3A_160 = tpu.memref_slice %arg3[%add3A_75, %dma_wait3A_159] : memref<64x100000xf32, #tpu.memory_space<hbm>> -> memref<1x100000xf32, #tpu.memory_space<hbm>>
      %dma_wait3A_161 = tpu.memref_squeeze %dma_wait3A_160 : memref<1x100000xf32, #tpu.memory_space<hbm>> -> memref<100000xf32, #tpu.memory_space<hbm>>
      %dma_wait3A_162 = arith.constant 0 : i32
      %dma_wait3A_163 = tpu.memref_slice %arg3[%add3A_75, %dma_wait3A_162] : memref<64x100000xf32, #tpu.memory_space<hbm>> -> memref<1x100000xf32, #tpu.memory_space<hbm>>
      %dma_wait3A_164 = tpu.memref_squeeze %dma_wait3A_163 : memref<1x100000xf32, #tpu.memory_space<hbm>> -> memref<100000xf32, #tpu.memory_space<hbm>>
      tpu.wait_dma2 semaphore(%run_scoped3A : memref<!tpu.dma_semaphore, #tpu.memory_space<semaphore_mem>>) src(%dma_wait3A_164 : memref<100000xf32, #tpu.memory_space<hbm>>) dst(%arg6 : memref<100000xf32, #tpu.memory_space<vmem>>)
      tpu.yield
    }) : () -> ()
    %dma_start3A_116 = arith.constant 0 : i32
    %dma_start3A_117 = arith.constant 0 : i32
    %dma_start3A_118 = tpu.memref_slice %arg5[%dma_start3A_116, %dma_start3A_117] : memref<50x4096xi32, #tpu.memory_space<vmem_shared>> -> memref<1x4096xi32, #tpu.memory_space<vmem_shared>>
    %dma_start3A_119 = tpu.memref_squeeze %dma_start3A_118 : memref<1x4096xi32, #tpu.memory_space<vmem_shared>> -> memref<4096xi32, #tpu.memory_space<vmem_shared>>
    %dma_start3A_120 = arith.constant 0 : i32
    %dma_start3A_121 = tpu.memref_slice %arg5[%dma_start3A_116, %dma_start3A_120] : memref<50x4096xi32, #tpu.memory_space<vmem_shared>> -> memref<1x4096xi32, #tpu.memory_space<vmem_shared>>
    %dma_start3A_122 = tpu.memref_squeeze %dma_start3A_121 : memref<1x4096xi32, #tpu.memory_space<vmem_shared>> -> memref<4096xi32, #tpu.memory_space<vmem_shared>>
    tpu.enqueue_dma source(%dma_start3A_122 : memref<4096xi32, #tpu.memory_space<vmem_shared>>) target(%arg7 : memref<4096xi32, #tpu.memory_space<vmem>>) target_semaphore(%arg11 : memref<!tpu.dma_semaphore, #tpu.memory_space<semaphore_mem>>)
    %dma_start3A_123 = arith.constant 1 : i32
    %dma_start3A_124 = arith.constant 0 : i32
    %dma_start3A_125 = tpu.memref_slice %arg5[%dma_start3A_123, %dma_start3A_124] : memref<50x4096xi32, #tpu.memory_space<vmem_shared>> -> memref<1x4096xi32, #tpu.memory_space<vmem_shared>>
    %dma_start3A_126 = tpu.memref_squeeze %dma_start3A_125 : memref<1x4096xi32, #tpu.memory_space<vmem_shared>> -> memref<4096xi32, #tpu.memory_space<vmem_shared>>
    %dma_start3A_127 = arith.constant 0 : i32
    %dma_start3A_128 = tpu.memref_slice %arg5[%dma_start3A_123, %dma_start3A_127] : memref<50x4096xi32, #tpu.memory_space<vmem_shared>> -> memref<1x4096xi32, #tpu.memory_space<vmem_shared>>
    %dma_start3A_129 = tpu.memref_squeeze %dma_start3A_128 : memref<1x4096xi32, #tpu.memory_space<vmem_shared>> -> memref<4096xi32, #tpu.memory_space<vmem_shared>>
    tpu.enqueue_dma source(%dma_start3A_129 : memref<4096xi32, #tpu.memory_space<vmem_shared>>) target(%arg8 : memref<4096xi32, #tpu.memory_space<vmem>>) target_semaphore(%arg12 : memref<!tpu.dma_semaphore, #tpu.memory_space<semaphore_mem>>)
    %scan3A_130 = arith.constant 0 : i32
    %scan3A_131 = arith.constant 25 : i32
    %scan3A_132 = arith.addi %scan3A_130, %scan3A_131 : i32
    %scan3A_133 = arith.constant 1 : i32
    scf.for %scan3A_153 = %scan3A_130 to %scan3A_132 step %scan3A_133  : i32 {
      %mul3A_154 = arith.constant 2 : i32
      %mul3A_155 = arith.muli %mul3A_154, %scan3A_153 : i32
      %gt3A = arith.constant 0 : i32
      %gt3A_156 = arith.cmpi sgt, %scan3A_153, %gt3A : i32
      %convert_element_type3A_157 = arith.extui %gt3A_156 : i1 to i32
      %cond3A_158 = arith.constant 0 : i32
      %cond3A_159 = arith.cmpi ne, %convert_element_type3A_157, %cond3A_158 : i32
      scf.if %cond3A_159 {
        %dma_wait3A_212 = arith.constant 0 : i32
        %dma_wait3A_213 = arith.constant 0 : i32
        %dma_wait3A_214 = tpu.memref_slice %arg4[%mul3A_155, %select_n3A_99, %dma_wait3A_212, %select_n3A_115, %dma_wait3A_213] : memref<50x8x32x8x128xf32, #tpu.memory_space<hbm>> -> memref<1x1x32x1x128xf32, #tpu.memory_space<hbm>>
        %dma_wait3A_215 = tpu.memref_squeeze %dma_wait3A_214 : memref<1x1x32x1x128xf32, #tpu.memory_space<hbm>> -> memref<32x128xf32, #tpu.memory_space<hbm>>
        %dma_wait3A_216 = arith.constant 0 : i32
        %dma_wait3A_217 = arith.constant 0 : i32
        %dma_wait3A_218 = tpu.memref_slice %arg4[%mul3A_155, %select_n3A_99, %dma_wait3A_216, %select_n3A_115, %dma_wait3A_217] : memref<50x8x32x8x128xf32, #tpu.memory_space<hbm>> -> memref<1x1x32x1x128xf32, #tpu.memory_space<hbm>>
        %dma_wait3A_219 = tpu.memref_squeeze %dma_wait3A_218 : memref<1x1x32x1x128xf32, #tpu.memory_space<hbm>> -> memref<32x128xf32, #tpu.memory_space<hbm>>
        tpu.wait_dma2 semaphore(%arg13 : memref<!tpu.dma_semaphore, #tpu.memory_space<semaphore_mem>>) src(%arg9 : memref<32x128xf32, #tpu.memory_space<vmem>>) dst(%dma_wait3A_219 : memref<32x128xf32, #tpu.memory_space<hbm>>)
      } else {
      }
      %dma_wait3A_160 = arith.constant 0 : i32
      %dma_wait3A_161 = arith.constant 0 : i32
      %dma_wait3A_162 = tpu.memref_slice %arg5[%dma_wait3A_160, %dma_wait3A_161] : memref<50x4096xi32, #tpu.memory_space<vmem_shared>> -> memref<1x4096xi32, #tpu.memory_space<vmem_shared>>
      %dma_wait3A_163 = tpu.memref_squeeze %dma_wait3A_162 : memref<1x4096xi32, #tpu.memory_space<vmem_shared>> -> memref<4096xi32, #tpu.memory_space<vmem_shared>>
      %dma_wait3A_164 = arith.constant 0 : i32
      %dma_wait3A_165 = tpu.memref_slice %arg5[%dma_wait3A_160, %dma_wait3A_164] : memref<50x4096xi32, #tpu.memory_space<vmem_shared>> -> memref<1x4096xi32, #tpu.memory_space<vmem_shared>>
      %dma_wait3A_166 = tpu.memref_squeeze %dma_wait3A_165 : memref<1x4096xi32, #tpu.memory_space<vmem_shared>> -> memref<4096xi32, #tpu.memory_space<vmem_shared>>
      tpu.wait_dma2 semaphore(%arg11 : memref<!tpu.dma_semaphore, #tpu.memory_space<semaphore_mem>>) src(%dma_wait3A_166 : memref<4096xi32, #tpu.memory_space<vmem_shared>>) dst(%arg7 : memref<4096xi32, #tpu.memory_space<vmem>>)
      %parallel_loop3A = arith.constant 0 : i32
      %parallel_loop3A_167 = arith.constant 32 : i32
      %parallel_loop3A_168 = arith.constant 1 : i32
      scf.for %parallel_loop3A_212 = %parallel_loop3A to %parallel_loop3A_167 step %parallel_loop3A_168  : i32 {
        %parallel_loop3A_213 = arith.constant 128 : i32
        %parallel_loop3A_214 = arith.muli %parallel_loop3A_212, %parallel_loop3A_213 : i32
        %parallel_loop3A_215 = arith.constant 0 : i32
        %parallel_loop3A_216 = arith.addi %parallel_loop3A_214, %parallel_loop3A_215 : i32
        %parallel_loop3A_217 = arith.index_cast %parallel_loop3A_216 : i32 to index
        %parallel_loop3A_218 = tpu.vector_load %arg7[%parallel_loop3A_217] {strides = array<i32>} : memref<4096xi32, #tpu.memory_space<vmem>>, vector<16xi32>,
        %parallel_loop3A_219 = tpu.vector_load_idx %arg6[%parallel_loop3A_218] : memref<100000xf32, #tpu.memory_space<vmem>>[vector<16xi32>], vector<16xf32>,
        %parallel_loop3A_220 = arith.index_cast %parallel_loop3A_212 : i32 to index
        %parallel_loop3A_221 = arith.constant 0 : index
        %parallel_loop3A_222 = tpu.vector_load %arg9[%parallel_loop3A_220, %parallel_loop3A_221] {strides = array<i32>} : memref<32x128xf32, #tpu.memory_space<vmem>>, vector<16xf32>,
        tpu.vector_store %arg9[%parallel_loop3A_220, %parallel_loop3A_221], %parallel_loop3A_219 {strides = array<i32>} : memref<32x128xf32, #tpu.memory_space<vmem>>, vector<16xf32>,
        %parallel_loop3A_223 = arith.constant 128 : i32
        %parallel_loop3A_224 = arith.muli %parallel_loop3A_212, %parallel_loop3A_223 : i32
        %parallel_loop3A_225 = arith.constant 16 : i32
        %parallel_loop3A_226 = arith.addi %parallel_loop3A_224, %parallel_loop3A_225 : i32
        %parallel_loop3A_227 = arith.index_cast %parallel_loop3A_226 : i32 to index
        %parallel_loop3A_228 = tpu.vector_load %arg7[%parallel_loop3A_227] {strides = array<i32>} : memref<4096xi32, #tpu.memory_space<vmem>>, vector<16xi32>,
        %parallel_loop3A_229 = tpu.vector_load_idx %arg6[%parallel_loop3A_228] : memref<100000xf32, #tpu.memory_space<vmem>>[vector<16xi32>], vector<16xf32>,
        %parallel_loop3A_230 = arith.index_cast %parallel_loop3A_212 : i32 to index
        %parallel_loop3A_231 = arith.constant 16 : index
        %parallel_loop3A_232 = tpu.vector_load %arg9[%parallel_loop3A_230, %parallel_loop3A_231] {strides = array<i32>} : memref<32x128xf32, #tpu.memory_space<vmem>>, vector<16xf32>,
        tpu.vector_store %arg9[%parallel_loop3A_230, %parallel_loop3A_231], %parallel_loop3A_229 {strides = array<i32>} : memref<32x128xf32, #tpu.memory_space<vmem>>, vector<16xf32>,
        %parallel_loop3A_233 = arith.constant 128 : i32
        %parallel_loop3A_234 = arith.muli %parallel_loop3A_212, %parallel_loop3A_233 : i32
        %parallel_loop3A_235 = arith.constant 32 : i32
        %parallel_loop3A_236 = arith.addi %parallel_loop3A_234, %parallel_loop3A_235 : i32
        %parallel_loop3A_237 = arith.index_cast %parallel_loop3A_236 : i32 to index
        %parallel_loop3A_238 = tpu.vector_load %arg7[%parallel_loop3A_237] {strides = array<i32>} : memref<4096xi32, #tpu.memory_space<vmem>>, vector<16xi32>,
        %parallel_loop3A_239 = tpu.vector_load_idx %arg6[%parallel_loop3A_238] : memref<100000xf32, #tpu.memory_space<vmem>>[vector<16xi32>], vector<16xf32>,
        %parallel_loop3A_240 = arith.index_cast %parallel_loop3A_212 : i32 to index
        %parallel_loop3A_241 = arith.constant 32 : index
        %parallel_loop3A_242 = tpu.vector_load %arg9[%parallel_loop3A_240, %parallel_loop3A_241] {strides = array<i32>} : memref<32x128xf32, #tpu.memory_space<vmem>>, vector<16xf32>,
        tpu.vector_store %arg9[%parallel_loop3A_240, %parallel_loop3A_241], %parallel_loop3A_239 {strides = array<i32>} : memref<32x128xf32, #tpu.memory_space<vmem>>, vector<16xf32>,
        %parallel_loop3A_243 = arith.constant 128 : i32
        %parallel_loop3A_244 = arith.muli %parallel_loop3A_212, %parallel_loop3A_243 : i32
        %parallel_loop3A_245 = arith.constant 48 : i32
        %parallel_loop3A_246 = arith.addi %parallel_loop3A_244, %parallel_loop3A_245 : i32
        %parallel_loop3A_247 = arith.index_cast %parallel_loop3A_246 : i32 to index
        %parallel_loop3A_248 = tpu.vector_load %arg7[%parallel_loop3A_247] {strides = array<i32>} : memref<4096xi32, #tpu.memory_space<vmem>>, vector<16xi32>,
        %parallel_loop3A_249 = tpu.vector_load_idx %arg6[%parallel_loop3A_248] : memref<100000xf32, #tpu.memory_space<vmem>>[vector<16xi32>], vector<16xf32>,
        %parallel_loop3A_250 = arith.index_cast %parallel_loop3A_212 : i32 to index
        %parallel_loop3A_251 = arith.constant 48 : index
        %parallel_loop3A_252 = tpu.vector_load %arg9[%parallel_loop3A_250, %parallel_loop3A_251] {strides = array<i32>} : memref<32x128xf32, #tpu.memory_space<vmem>>, vector<16xf32>,
        tpu.vector_store %arg9[%parallel_loop3A_250, %parallel_loop3A_251], %parallel_loop3A_249 {strides = array<i32>} : memref<32x128xf32, #tpu.memory_space<vmem>>, vector<16xf32>,
        %parallel_loop3A_253 = arith.constant 128 : i32
        %parallel_loop3A_254 = arith.muli %parallel_loop3A_212, %parallel_loop3A_253 : i32
        %parallel_loop3A_255 = arith.constant 64 : i32
        %parallel_loop3A_256 = arith.addi %parallel_loop3A_254, %parallel_loop3A_255 : i32
        %parallel_loop3A_257 = arith.index_cast %parallel_loop3A_256 : i32 to index
        %parallel_loop3A_258 = tpu.vector_load %arg7[%parallel_loop3A_257] {strides = array<i32>} : memref<4096xi32, #tpu.memory_space<vmem>>, vector<16xi32>,
        %parallel_loop3A_259 = tpu.vector_load_idx %arg6[%parallel_loop3A_258] : memref<100000xf32, #tpu.memory_space<vmem>>[vector<16xi32>], vector<16xf32>,
        %parallel_loop3A_260 = arith.index_cast %parallel_loop3A_212 : i32 to index
        %parallel_loop3A_261 = arith.constant 64 : index
        %parallel_loop3A_262 = tpu.vector_load %arg9[%parallel_loop3A_260, %parallel_loop3A_261] {strides = array<i32>} : memref<32x128xf32, #tpu.memory_space<vmem>>, vector<16xf32>,
        tpu.vector_store %arg9[%parallel_loop3A_260, %parallel_loop3A_261], %parallel_loop3A_259 {strides = array<i32>} : memref<32x128xf32, #tpu.memory_space<vmem>>, vector<16xf32>,
        %parallel_loop3A_263 = arith.constant 128 : i32
        %parallel_loop3A_264 = arith.muli %parallel_loop3A_212, %parallel_loop3A_263 : i32
        %parallel_loop3A_265 = arith.constant 80 : i32
        %parallel_loop3A_266 = arith.addi %parallel_loop3A_264, %parallel_loop3A_265 : i32
        %parallel_loop3A_267 = arith.index_cast %parallel_loop3A_266 : i32 to index
        %parallel_loop3A_268 = tpu.vector_load %arg7[%parallel_loop3A_267] {strides = array<i32>} : memref<4096xi32, #tpu.memory_space<vmem>>, vector<16xi32>,
        %parallel_loop3A_269 = tpu.vector_load_idx %arg6[%parallel_loop3A_268] : memref<100000xf32, #tpu.memory_space<vmem>>[vector<16xi32>], vector<16xf32>,
        %parallel_loop3A_270 = arith.index_cast %parallel_loop3A_212 : i32 to index
        %parallel_loop3A_271 = arith.constant 80 : index
        %parallel_loop3A_272 = tpu.vector_load %arg9[%parallel_loop3A_270, %parallel_loop3A_271] {strides = array<i32>} : memref<32x128xf32, #tpu.memory_space<vmem>>, vector<16xf32>,
        tpu.vector_store %arg9[%parallel_loop3A_270, %parallel_loop3A_271], %parallel_loop3A_269 {strides = array<i32>} : memref<32x128xf32, #tpu.memory_space<vmem>>, vector<16xf32>,
        %parallel_loop3A_273 = arith.constant 128 : i32
        %parallel_loop3A_274 = arith.muli %parallel_loop3A_212, %parallel_loop3A_273 : i32
        %parallel_loop3A_275 = arith.constant 96 : i32
        %parallel_loop3A_276 = arith.addi %parallel_loop3A_274, %parallel_loop3A_275 : i32
        %parallel_loop3A_277 = arith.index_cast %parallel_loop3A_276 : i32 to index
        %parallel_loop3A_278 = tpu.vector_load %arg7[%parallel_loop3A_277] {strides = array<i32>} : memref<4096xi32, #tpu.memory_space<vmem>>, vector<16xi32>,
        %parallel_loop3A_279 = tpu.vector_load_idx %arg6[%parallel_loop3A_278] : memref<100000xf32, #tpu.memory_space<vmem>>[vector<16xi32>], vector<16xf32>,
        %parallel_loop3A_280 = arith.index_cast %parallel_loop3A_212 : i32 to index
        %parallel_loop3A_281 = arith.constant 96 : index
        %parallel_loop3A_282 = tpu.vector_load %arg9[%parallel_loop3A_280, %parallel_loop3A_281] {strides = array<i32>} : memref<32x128xf32, #tpu.memory_space<vmem>>, vector<16xf32>,
        tpu.vector_store %arg9[%parallel_loop3A_280, %parallel_loop3A_281], %parallel_loop3A_279 {strides = array<i32>} : memref<32x128xf32, #tpu.memory_space<vmem>>, vector<16xf32>,
        %parallel_loop3A_283 = arith.constant 128 : i32
        %parallel_loop3A_284 = arith.muli %parallel_loop3A_212, %parallel_loop3A_283 : i32
        %parallel_loop3A_285 = arith.constant 112 : i32
        %parallel_loop3A_286 = arith.addi %parallel_loop3A_284, %parallel_loop3A_285 : i32
        %parallel_loop3A_287 = arith.index_cast %parallel_loop3A_286 : i32 to index
        %parallel_loop3A_288 = tpu.vector_load %arg7[%parallel_loop3A_287] {strides = array<i32>} : memref<4096xi32, #tpu.memory_space<vmem>>, vector<16xi32>,
        %parallel_loop3A_289 = tpu.vector_load_idx %arg6[%parallel_loop3A_288] : memref<100000xf32, #tpu.memory_space<vmem>>[vector<16xi32>], vector<16xf32>,
        %parallel_loop3A_290 = arith.index_cast %parallel_loop3A_212 : i32 to index
        %parallel_loop3A_291 = arith.constant 112 : index
        %parallel_loop3A_292 = tpu.vector_load %arg9[%parallel_loop3A_290, %parallel_loop3A_291] {strides = array<i32>} : memref<32x128xf32, #tpu.memory_space<vmem>>, vector<16xf32>,
        tpu.vector_store %arg9[%parallel_loop3A_290, %parallel_loop3A_291], %parallel_loop3A_289 {strides = array<i32>} : memref<32x128xf32, #tpu.memory_space<vmem>>, vector<16xf32>,
      } {sc.loop_unroll_factor = 2 : i64, sc.parallel_access}
      %dma_start3A_169 = arith.constant 0 : i32
      %dma_start3A_170 = arith.constant 0 : i32
      %dma_start3A_171 = tpu.memref_slice %arg4[%mul3A_155, %select_n3A_99, %dma_start3A_169, %select_n3A_115, %dma_start3A_170] : memref<50x8x32x8x128xf32, #tpu.memory_space<hbm>> -> memref<1x1x32x1x128xf32, #tpu.memory_space<hbm>>
      %dma_start3A_172 = tpu.memref_squeeze %dma_start3A_171 : memref<1x1x32x1x128xf32, #tpu.memory_space<hbm>> -> memref<32x128xf32, #tpu.memory_space<hbm>>
      %dma_start3A_173 = arith.constant 0 : i32
      %dma_start3A_174 = arith.constant 0 : i32
      %dma_start3A_175 = tpu.memref_slice %arg4[%mul3A_155, %select_n3A_99, %dma_start3A_173, %select_n3A_115, %dma_start3A_174] : memref<50x8x32x8x128xf32, #tpu.memory_space<hbm>> -> memref<1x1x32x1x128xf32, #tpu.memory_space<hbm>>
      %dma_start3A_176 = tpu.memref_squeeze %dma_start3A_175 : memref<1x1x32x1x128xf32, #tpu.memory_space<hbm>> -> memref<32x128xf32, #tpu.memory_space<hbm>>
      tpu.enqueue_dma source(%arg9 : memref<32x128xf32, #tpu.memory_space<vmem>>) target(%dma_start3A_176 : memref<32x128xf32, #tpu.memory_space<hbm>>) target_semaphore(%arg13 : memref<!tpu.dma_semaphore, #tpu.memory_space<semaphore_mem>>)
      %lt3A_177 = arith.constant 24 : i32
      %lt3A_178 = arith.cmpi slt, %scan3A_153, %lt3A_177 : i32
      %convert_element_type3A_179 = arith.extui %lt3A_178 : i1 to i32
      %cond3A_180 = arith.constant 0 : i32
      %cond3A_181 = arith.cmpi ne, %convert_element_type3A_179, %cond3A_180 : i32
      scf.if %cond3A_181 {
        %add3A_212 = arith.constant 2 : i32
        %add3A_213 = arith.addi %mul3A_155, %add3A_212 : i32
        %dma_start3A_214 = arith.constant 0 : i32
        %dma_start3A_215 = tpu.memref_slice %arg5[%add3A_213, %dma_start3A_214] : memref<50x4096xi32, #tpu.memory_space<vmem_shared>> -> memref<1x4096xi32, #tpu.memory_space<vmem_shared>>
        %dma_start3A_216 = tpu.memref_squeeze %dma_start3A_215 : memref<1x4096xi32, #tpu.memory_space<vmem_shared>> -> memref<4096xi32, #tpu.memory_space<vmem_shared>>
        %dma_start3A_217 = arith.constant 0 : i32
        %dma_start3A_218 = tpu.memref_slice %arg5[%add3A_213, %dma_start3A_217] : memref<50x4096xi32, #tpu.memory_space<vmem_shared>> -> memref<1x4096xi32, #tpu.memory_space<vmem_shared>>
        %dma_start3A_219 = tpu.memref_squeeze %dma_start3A_218 : memref<1x4096xi32, #tpu.memory_space<vmem_shared>> -> memref<4096xi32, #tpu.memory_space<vmem_shared>>
        tpu.enqueue_dma source(%dma_start3A_219 : memref<4096xi32, #tpu.memory_space<vmem_shared>>) target(%arg7 : memref<4096xi32, #tpu.memory_space<vmem>>) target_semaphore(%arg11 : memref<!tpu.dma_semaphore, #tpu.memory_space<semaphore_mem>>)
      } else {
      }
      %gt3A_182 = arith.constant 0 : i32
      %gt3A_183 = arith.cmpi sgt, %scan3A_153, %gt3A_182 : i32
      %convert_element_type3A_184 = arith.extui %gt3A_183 : i1 to i32
      %cond3A_185 = arith.constant 0 : i32
      %cond3A_186 = arith.cmpi ne, %convert_element_type3A_184, %cond3A_185 : i32
      scf.if %cond3A_186 {
        %dma_wait3A_212 = arith.constant 0 : i32
        %dma_wait3A_213 = arith.constant 0 : i32
        %dma_wait3A_214 = tpu.memref_slice %arg4[%mul3A_155, %select_n3A_99, %dma_wait3A_212, %select_n3A_115, %dma_wait3A_213] : memref<50x8x32x8x128xf32, #tpu.memory_space<hbm>> -> memref<1x1x32x1x128xf32, #tpu.memory_space<hbm>>
        %dma_wait3A_215 = tpu.memref_squeeze %dma_wait3A_214 : memref<1x1x32x1x128xf32, #tpu.memory_space<hbm>> -> memref<32x128xf32, #tpu.memory_space<hbm>>
        %dma_wait3A_216 = arith.constant 0 : i32
        %dma_wait3A_217 = arith.constant 0 : i32
        %dma_wait3A_218 = tpu.memref_slice %arg4[%mul3A_155, %select_n3A_99, %dma_wait3A_216, %select_n3A_115, %dma_wait3A_217] : memref<50x8x32x8x128xf32, #tpu.memory_space<hbm>> -> memref<1x1x32x1x128xf32, #tpu.memory_space<hbm>>
        %dma_wait3A_219 = tpu.memref_squeeze %dma_wait3A_218 : memref<1x1x32x1x128xf32, #tpu.memory_space<hbm>> -> memref<32x128xf32, #tpu.memory_space<hbm>>
        tpu.wait_dma2 semaphore(%arg14 : memref<!tpu.dma_semaphore, #tpu.memory_space<semaphore_mem>>) src(%arg10 : memref<32x128xf32, #tpu.memory_space<vmem>>) dst(%dma_wait3A_219 : memref<32x128xf32, #tpu.memory_space<hbm>>)
      } else {
      }
      %add3A_187 = arith.constant 1 : i32
      %add3A_188 = arith.addi %mul3A_155, %add3A_187 : i32
      %dma_wait3A_189 = arith.constant 0 : i32
      %dma_wait3A_190 = arith.constant 0 : i32
      %dma_wait3A_191 = tpu.memref_slice %arg5[%dma_wait3A_189, %dma_wait3A_190] : memref<50x4096xi32, #tpu.memory_space<vmem_shared>> -> memref<1x4096xi32, #tpu.memory_space<vmem_shared>>
      %dma_wait3A_192 = tpu.memref_squeeze %dma_wait3A_191 : memref<1x4096xi32, #tpu.memory_space<vmem_shared>> -> memref<4096xi32, #tpu.memory_space<vmem_shared>>
      %dma_wait3A_193 = arith.constant 0 : i32
      %dma_wait3A_194 = tpu.memref_slice %arg5[%dma_wait3A_189, %dma_wait3A_193] : memref<50x4096xi32, #tpu.memory_space<vmem_shared>> -> memref<1x4096xi32, #tpu.memory_space<vmem_shared>>
      %dma_wait3A_195 = tpu.memref_squeeze %dma_wait3A_194 : memref<1x4096xi32, #tpu.memory_space<vmem_shared>> -> memref<4096xi32, #tpu.memory_space<vmem_shared>>
      tpu.wait_dma2 semaphore(%arg12 : memref<!tpu.dma_semaphore, #tpu.memory_space<semaphore_mem>>) src(%dma_wait3A_195 : memref<4096xi32, #tpu.memory_space<vmem_shared>>) dst(%arg8 : memref<4096xi32, #tpu.memory_space<vmem>>)
      %parallel_loop3A_196 = arith.constant 0 : i32
      %parallel_loop3A_197 = arith.constant 32 : i32
      %parallel_loop3A_198 = arith.constant 1 : i32
      scf.for %parallel_loop3A_212 = %parallel_loop3A_196 to %parallel_loop3A_197 step %parallel_loop3A_198  : i32 {
        %parallel_loop3A_213 = arith.constant 128 : i32
        %parallel_loop3A_214 = arith.muli %parallel_loop3A_212, %parallel_loop3A_213 : i32
        %parallel_loop3A_215 = arith.constant 0 : i32
        %parallel_loop3A_216 = arith.addi %parallel_loop3A_214, %parallel_loop3A_215 : i32
        %parallel_loop3A_217 = arith.index_cast %parallel_loop3A_216 : i32 to index
        %parallel_loop3A_218 = tpu.vector_load %arg8[%parallel_loop3A_217] {strides = array<i32>} : memref<4096xi32, #tpu.memory_space<vmem>>, vector<16xi32>,
        %parallel_loop3A_219 = tpu.vector_load_idx %arg6[%parallel_loop3A_218] : memref<100000xf32, #tpu.memory_space<vmem>>[vector<16xi32>], vector<16xf32>,
        %parallel_loop3A_220 = arith.index_cast %parallel_loop3A_212 : i32 to index
        %parallel_loop3A_221 = arith.constant 0 : index
        %parallel_loop3A_222 = tpu.vector_load %arg10[%parallel_loop3A_220, %parallel_loop3A_221] {strides = array<i32>} : memref<32x128xf32, #tpu.memory_space<vmem>>, vector<16xf32>,
        tpu.vector_store %arg10[%parallel_loop3A_220, %parallel_loop3A_221], %parallel_loop3A_219 {strides = array<i32>} : memref<32x128xf32, #tpu.memory_space<vmem>>, vector<16xf32>,
        %parallel_loop3A_223 = arith.constant 128 : i32
        %parallel_loop3A_224 = arith.muli %parallel_loop3A_212, %parallel_loop3A_223 : i32
        %parallel_loop3A_225 = arith.constant 16 : i32
        %parallel_loop3A_226 = arith.addi %parallel_loop3A_224, %parallel_loop3A_225 : i32
        %parallel_loop3A_227 = arith.index_cast %parallel_loop3A_226 : i32 to index
        %parallel_loop3A_228 = tpu.vector_load %arg8[%parallel_loop3A_227] {strides = array<i32>} : memref<4096xi32, #tpu.memory_space<vmem>>, vector<16xi32>,
        %parallel_loop3A_229 = tpu.vector_load_idx %arg6[%parallel_loop3A_228] : memref<100000xf32, #tpu.memory_space<vmem>>[vector<16xi32>], vector<16xf32>,
        %parallel_loop3A_230 = arith.index_cast %parallel_loop3A_212 : i32 to index
        %parallel_loop3A_231 = arith.constant 16 : index
        %parallel_loop3A_232 = tpu.vector_load %arg10[%parallel_loop3A_230, %parallel_loop3A_231] {strides = array<i32>} : memref<32x128xf32, #tpu.memory_space<vmem>>, vector<16xf32>,
        tpu.vector_store %arg10[%parallel_loop3A_230, %parallel_loop3A_231], %parallel_loop3A_229 {strides = array<i32>} : memref<32x128xf32, #tpu.memory_space<vmem>>, vector<16xf32>,
        %parallel_loop3A_233 = arith.constant 128 : i32
        %parallel_loop3A_234 = arith.muli %parallel_loop3A_212, %parallel_loop3A_233 : i32
        %parallel_loop3A_235 = arith.constant 32 : i32
        %parallel_loop3A_236 = arith.addi %parallel_loop3A_234, %parallel_loop3A_235 : i32
        %parallel_loop3A_237 = arith.index_cast %parallel_loop3A_236 : i32 to index
        %parallel_loop3A_238 = tpu.vector_load %arg8[%parallel_loop3A_237] {strides = array<i32>} : memref<4096xi32, #tpu.memory_space<vmem>>, vector<16xi32>,
        %parallel_loop3A_239 = tpu.vector_load_idx %arg6[%parallel_loop3A_238] : memref<100000xf32, #tpu.memory_space<vmem>>[vector<16xi32>], vector<16xf32>,
        %parallel_loop3A_240 = arith.index_cast %parallel_loop3A_212 : i32 to index
        %parallel_loop3A_241 = arith.constant 32 : index
        %parallel_loop3A_242 = tpu.vector_load %arg10[%parallel_loop3A_240, %parallel_loop3A_241] {strides = array<i32>} : memref<32x128xf32, #tpu.memory_space<vmem>>, vector<16xf32>,
        tpu.vector_store %arg10[%parallel_loop3A_240, %parallel_loop3A_241], %parallel_loop3A_239 {strides = array<i32>} : memref<32x128xf32, #tpu.memory_space<vmem>>, vector<16xf32>,
        %parallel_loop3A_243 = arith.constant 128 : i32
        %parallel_loop3A_244 = arith.muli %parallel_loop3A_212, %parallel_loop3A_243 : i32
        %parallel_loop3A_245 = arith.constant 48 : i32
        %parallel_loop3A_246 = arith.addi %parallel_loop3A_244, %parallel_loop3A_245 : i32
        %parallel_loop3A_247 = arith.index_cast %parallel_loop3A_246 : i32 to index
        %parallel_loop3A_248 = tpu.vector_load %arg8[%parallel_loop3A_247] {strides = array<i32>} : memref<4096xi32, #tpu.memory_space<vmem>>, vector<16xi32>,
        %parallel_loop3A_249 = tpu.vector_load_idx %arg6[%parallel_loop3A_248] : memref<100000xf32, #tpu.memory_space<vmem>>[vector<16xi32>], vector<16xf32>,
        %parallel_loop3A_250 = arith.index_cast %parallel_loop3A_212 : i32 to index
        %parallel_loop3A_251 = arith.constant 48 : index
        %parallel_loop3A_252 = tpu.vector_load %arg10[%parallel_loop3A_250, %parallel_loop3A_251] {strides = array<i32>} : memref<32x128xf32, #tpu.memory_space<vmem>>, vector<16xf32>,
        tpu.vector_store %arg10[%parallel_loop3A_250, %parallel_loop3A_251], %parallel_loop3A_249 {strides = array<i32>} : memref<32x128xf32, #tpu.memory_space<vmem>>, vector<16xf32>,
        %parallel_loop3A_253 = arith.constant 128 : i32
        %parallel_loop3A_254 = arith.muli %parallel_loop3A_212, %parallel_loop3A_253 : i32
        %parallel_loop3A_255 = arith.constant 64 : i32
        %parallel_loop3A_256 = arith.addi %parallel_loop3A_254, %parallel_loop3A_255 : i32
        %parallel_loop3A_257 = arith.index_cast %parallel_loop3A_256 : i32 to index
        %parallel_loop3A_258 = tpu.vector_load %arg8[%parallel_loop3A_257] {strides = array<i32>} : memref<4096xi32, #tpu.memory_space<vmem>>, vector<16xi32>,
        %parallel_loop3A_259 = tpu.vector_load_idx %arg6[%parallel_loop3A_258] : memref<100000xf32, #tpu.memory_space<vmem>>[vector<16xi32>], vector<16xf32>,
        %parallel_loop3A_260 = arith.index_cast %parallel_loop3A_212 : i32 to index
        %parallel_loop3A_261 = arith.constant 64 : index
        %parallel_loop3A_262 = tpu.vector_load %arg10[%parallel_loop3A_260, %parallel_loop3A_261] {strides = array<i32>} : memref<32x128xf32, #tpu.memory_space<vmem>>, vector<16xf32>,
        tpu.vector_store %arg10[%parallel_loop3A_260, %parallel_loop3A_261], %parallel_loop3A_259 {strides = array<i32>} : memref<32x128xf32, #tpu.memory_space<vmem>>, vector<16xf32>,
        %parallel_loop3A_263 = arith.constant 128 : i32
        %parallel_loop3A_264 = arith.muli %parallel_loop3A_212, %parallel_loop3A_263 : i32
        %parallel_loop3A_265 = arith.constant 80 : i32
        %parallel_loop3A_266 = arith.addi %parallel_loop3A_264, %parallel_loop3A_265 : i32
        %parallel_loop3A_267 = arith.index_cast %parallel_loop3A_266 : i32 to index
        %parallel_loop3A_268 = tpu.vector_load %arg8[%parallel_loop3A_267] {strides = array<i32>} : memref<4096xi32, #tpu.memory_space<vmem>>, vector<16xi32>,
        %parallel_loop3A_269 = tpu.vector_load_idx %arg6[%parallel_loop3A_268] : memref<100000xf32, #tpu.memory_space<vmem>>[vector<16xi32>], vector<16xf32>,
        %parallel_loop3A_270 = arith.index_cast %parallel_loop3A_212 : i32 to index
        %parallel_loop3A_271 = arith.constant 80 : index
        %parallel_loop3A_272 = tpu.vector_load %arg10[%parallel_loop3A_270, %parallel_loop3A_271] {strides = array<i32>} : memref<32x128xf32, #tpu.memory_space<vmem>>, vector<16xf32>,
        tpu.vector_store %arg10[%parallel_loop3A_270, %parallel_loop3A_271], %parallel_loop3A_269 {strides = array<i32>} : memref<32x128xf32, #tpu.memory_space<vmem>>, vector<16xf32>,
        %parallel_loop3A_273 = arith.constant 128 : i32
        %parallel_loop3A_274 = arith.muli %parallel_loop3A_212, %parallel_loop3A_273 : i32
        %parallel_loop3A_275 = arith.constant 96 : i32
        %parallel_loop3A_276 = arith.addi %parallel_loop3A_274, %parallel_loop3A_275 : i32
        %parallel_loop3A_277 = arith.index_cast %parallel_loop3A_276 : i32 to index
        %parallel_loop3A_278 = tpu.vector_load %arg8[%parallel_loop3A_277] {strides = array<i32>} : memref<4096xi32, #tpu.memory_space<vmem>>, vector<16xi32>,
        %parallel_loop3A_279 = tpu.vector_load_idx %arg6[%parallel_loop3A_278] : memref<100000xf32, #tpu.memory_space<vmem>>[vector<16xi32>], vector<16xf32>,
        %parallel_loop3A_280 = arith.index_cast %parallel_loop3A_212 : i32 to index
        %parallel_loop3A_281 = arith.constant 96 : index
        %parallel_loop3A_282 = tpu.vector_load %arg10[%parallel_loop3A_280, %parallel_loop3A_281] {strides = array<i32>} : memref<32x128xf32, #tpu.memory_space<vmem>>, vector<16xf32>,
        tpu.vector_store %arg10[%parallel_loop3A_280, %parallel_loop3A_281], %parallel_loop3A_279 {strides = array<i32>} : memref<32x128xf32, #tpu.memory_space<vmem>>, vector<16xf32>,
        %parallel_loop3A_283 = arith.constant 128 : i32
        %parallel_loop3A_284 = arith.muli %parallel_loop3A_212, %parallel_loop3A_283 : i32
        %parallel_loop3A_285 = arith.constant 112 : i32
        %parallel_loop3A_286 = arith.addi %parallel_loop3A_284, %parallel_loop3A_285 : i32
        %parallel_loop3A_287 = arith.index_cast %parallel_loop3A_286 : i32 to index
        %parallel_loop3A_288 = tpu.vector_load %arg8[%parallel_loop3A_287] {strides = array<i32>} : memref<4096xi32, #tpu.memory_space<vmem>>, vector<16xi32>,
        %parallel_loop3A_289 = tpu.vector_load_idx %arg6[%parallel_loop3A_288] : memref<100000xf32, #tpu.memory_space<vmem>>[vector<16xi32>], vector<16xf32>,
        %parallel_loop3A_290 = arith.index_cast %parallel_loop3A_212 : i32 to index
        %parallel_loop3A_291 = arith.constant 112 : index
        %parallel_loop3A_292 = tpu.vector_load %arg10[%parallel_loop3A_290, %parallel_loop3A_291] {strides = array<i32>} : memref<32x128xf32, #tpu.memory_space<vmem>>, vector<16xf32>,
        tpu.vector_store %arg10[%parallel_loop3A_290, %parallel_loop3A_291], %parallel_loop3A_289 {strides = array<i32>} : memref<32x128xf32, #tpu.memory_space<vmem>>, vector<16xf32>,
      } {sc.loop_unroll_factor = 2 : i64, sc.parallel_access}
      %dma_start3A_199 = arith.constant 0 : i32
      %dma_start3A_200 = arith.constant 0 : i32
      %dma_start3A_201 = tpu.memref_slice %arg4[%add3A_188, %select_n3A_99, %dma_start3A_199, %select_n3A_115, %dma_start3A_200] : memref<50x8x32x8x128xf32, #tpu.memory_space<hbm>> -> memref<1x1x32x1x128xf32, #tpu.memory_space<hbm>>
      %dma_start3A_202 = tpu.memref_squeeze %dma_start3A_201 : memref<1x1x32x1x128xf32, #tpu.memory_space<hbm>> -> memref<32x128xf32, #tpu.memory_space<hbm>>
      %dma_start3A_203 = arith.constant 0 : i32
      %dma_start3A_204 = arith.constant 0 : i32
      %dma_start3A_205 = tpu.memref_slice %arg4[%add3A_188, %select_n3A_99, %dma_start3A_203, %select_n3A_115, %dma_start3A_204] : memref<50x8x32x8x128xf32, #tpu.memory_space<hbm>> -> memref<1x1x32x1x128xf32, #tpu.memory_space<hbm>>
      %dma_start3A_206 = tpu.memref_squeeze %dma_start3A_205 : memref<1x1x32x1x128xf32, #tpu.memory_space<hbm>> -> memref<32x128xf32, #tpu.memory_space<hbm>>
      tpu.enqueue_dma source(%arg10 : memref<32x128xf32, #tpu.memory_space<vmem>>) target(%dma_start3A_206 : memref<32x128xf32, #tpu.memory_space<hbm>>) target_semaphore(%arg14 : memref<!tpu.dma_semaphore, #tpu.memory_space<semaphore_mem>>)
      %lt3A_207 = arith.constant 24 : i32
      %lt3A_208 = arith.cmpi slt, %scan3A_153, %lt3A_207 : i32
      %convert_element_type3A_209 = arith.extui %lt3A_208 : i1 to i32
      %cond3A_210 = arith.constant 0 : i32
      %cond3A_211 = arith.cmpi ne, %convert_element_type3A_209, %cond3A_210 : i32
      scf.if %cond3A_211 {
        %add3A_212 = arith.constant 3 : i32
        %add3A_213 = arith.addi %mul3A_155, %add3A_212 : i32
        %dma_start3A_214 = arith.constant 0 : i32
        %dma_start3A_215 = tpu.memref_slice %arg5[%add3A_213, %dma_start3A_214] : memref<50x4096xi32, #tpu.memory_space<vmem_shared>> -> memref<1x4096xi32, #tpu.memory_space<vmem_shared>>
        %dma_start3A_216 = tpu.memref_squeeze %dma_start3A_215 : memref<1x4096xi32, #tpu.memory_space<vmem_shared>> -> memref<4096xi32, #tpu.memory_space<vmem_shared>>
        %dma_start3A_217 = arith.constant 0 : i32
        %dma_start3A_218 = tpu.memref_slice %arg5[%add3A_213, %dma_start3A_217] : memref<50x4096xi32, #tpu.memory_space<vmem_shared>> -> memref<1x4096xi32, #tpu.memory_space<vmem_shared>>
        %dma_start3A_219 = tpu.memref_squeeze %dma_start3A_218 : memref<1x4096xi32, #tpu.memory_space<vmem_shared>> -> memref<4096xi32, #tpu.memory_space<vmem_shared>>
        tpu.enqueue_dma source(%dma_start3A_219 : memref<4096xi32, #tpu.memory_space<vmem_shared>>) target(%arg8 : memref<4096xi32, #tpu.memory_space<vmem>>) target_semaphore(%arg12 : memref<!tpu.dma_semaphore, #tpu.memory_space<semaphore_mem>>)
      } else {
      }
    }
    %scan3A_134 = arith.constant 25 : i32
    %dma_wait3A_135 = arith.constant 0 : i32
    %dma_wait3A_136 = arith.constant 0 : i32
    %dma_wait3A_137 = arith.constant 0 : i32
    %dma_wait3A_138 = tpu.memref_slice %arg4[%dma_wait3A_135, %select_n3A_99, %dma_wait3A_136, %select_n3A_115, %dma_wait3A_137] : memref<50x8x32x8x128xf32, #tpu.memory_space<hbm>> -> memref<1x1x32x1x128xf32, #tpu.memory_space<hbm>>
    %dma_wait3A_139 = tpu.memref_squeeze %dma_wait3A_138 : memref<1x1x32x1x128xf32, #tpu.memory_space<hbm>> -> memref<32x128xf32, #tpu.memory_space<hbm>>
    %dma_wait3A_140 = arith.constant 0 : i32
    %dma_wait3A_141 = arith.constant 0 : i32
    %dma_wait3A_142 = tpu.memref_slice %arg4[%dma_wait3A_135, %select_n3A_99, %dma_wait3A_140, %select_n3A_115, %dma_wait3A_141] : memref<50x8x32x8x128xf32, #tpu.memory_space<hbm>> -> memref<1x1x32x1x128xf32, #tpu.memory_space<hbm>>
    %dma_wait3A_143 = tpu.memref_squeeze %dma_wait3A_142 : memref<1x1x32x1x128xf32, #tpu.memory_space<hbm>> -> memref<32x128xf32, #tpu.memory_space<hbm>>
    tpu.wait_dma2 semaphore(%arg13 : memref<!tpu.dma_semaphore, #tpu.memory_space<semaphore_mem>>) src(%arg9 : memref<32x128xf32, #tpu.memory_space<vmem>>) dst(%dma_wait3A_143 : memref<32x128xf32, #tpu.memory_space<hbm>>)
    %dma_wait3A_144 = arith.constant 0 : i32
    %dma_wait3A_145 = arith.constant 0 : i32
    %dma_wait3A_146 = arith.constant 0 : i32
    %dma_wait3A_147 = tpu.memref_slice %arg4[%dma_wait3A_144, %select_n3A_99, %dma_wait3A_145, %select_n3A_115, %dma_wait3A_146] : memref<50x8x32x8x128xf32, #tpu.memory_space<hbm>> -> memref<1x1x32x1x128xf32, #tpu.memory_space<hbm>>
    %dma_wait3A_148 = tpu.memref_squeeze %dma_wait3A_147 : memref<1x1x32x1x128xf32, #tpu.memory_space<hbm>> -> memref<32x128xf32, #tpu.memory_space<hbm>>
    %dma_wait3A_149 = arith.constant 0 : i32
    %dma_wait3A_150 = arith.constant 0 : i32
    %dma_wait3A_151 = tpu.memref_slice %arg4[%dma_wait3A_144, %select_n3A_99, %dma_wait3A_149, %select_n3A_115, %dma_wait3A_150] : memref<50x8x32x8x128xf32, #tpu.memory_space<hbm>> -> memref<1x1x32x1x128xf32, #tpu.memory_space<hbm>>
    %dma_wait3A_152 = tpu.memref_squeeze %dma_wait3A_151 : memref<1x1x32x1x128xf32, #tpu.memory_space<hbm>> -> memref<32x128xf32, #tpu.memory_space<hbm>>
    tpu.wait_dma2 semaphore(%arg14 : memref<!tpu.dma_semaphore, #tpu.memory_space<semaphore_mem>>) src(%arg10 : memref<32x128xf32, #tpu.memory_space<vmem>>) dst(%dma_wait3A_152 : memref<32x128xf32, #tpu.memory_space<hbm>>)
    return
  }
}

</mosaic_0001>

<sc_bundles>
// kernel: kernel.3.cloned.1.call-start
scs
__scs_entry_jumppad:
0x0: {  	(pc) =	sbr.rel $0x88, $3  }
0x1: {  	(tag) =	ssettag $0x0;
	lr =	simm.s32 $0x1  }
0x2: {  	[smem:$0x3F9F] =	sst lr;
	_ =	strace $0xD0000000  }
0x3: {  	_ = 	snop  }
0x4: {  	_ = 	snop  }
0x5: {  	_ = 	snop  }
0x6: {  	_ = 	snop  }
0x7: {  	_ = 	snop  }
__scs_overlays_trampoline_lowered:
0x8: {  	[smem:$0x3FAE] =	sst s0  }
0x9: {  	[smem:$0x3FAF] =	sst s1  }
0xa: {  	[smem:$0x3FB0] =	sst s2  }
0xb: {  	[smem:$0x3FB1] =	sst s3  }
0xc: {  	[smem:$0x3FB2] =	sst s4  }
0xd: {  	[smem:$0x3FB3] =	sst s5  }
0xe: {  	[smem:$0x3FB4] =	sst s6  }
0xf: {  	[smem:$0x3FB5] =	sst s7  }
0x10: {  	[smem:$0x3FB6] =	sst s8  }
0x11: {  	[smem:$0x3FB7] =	sst s9;
	s0 =	simm.s32 @!p0 $0x0  }
0x12: {  	s1 =	sld [smem:$0x3F9D];
	s0 =	simm.s32 @p0 $0x1  }
0x13: {  	[smem:$0x3FB8] =	sst s0;
	s0 =	simm.s32 @!p1 $0x0  }
0x14: {  	s2 =	sld [smem:$0x3F9C];
	s0 =	simm.s32 @p1 $0x1  }
0x15: {  	[smem:$0x3FB9] =	sst s0;
	s0 =	simm.s32 @!p2 $0x0  }
0x16: {  	s3 =	sld [smem:$0x3FDB];
	s0 =	simm.s32 @p2 $0x1  }
0x17: {  	s4 =	simm.s32 $0x1BF5;
	[smem:$0x3FBB] =	sst s0  }
0x18: {  	s0 =	sld [smem:$0x3F9E];
	_ =	swait.ge [sflag:s4], $0x0  }
0x19: {  	s7 =	sld [smem:$0x3F9F]  }
0x1a: {  	s8 =	sadd.s32 $0xFFFFE003, lr  }
0x1b: {  	s9 =	sadd.s32 $0xFFFFFEF7, lr;
	s5 =	simm.s32 $0xFFFFFFFF;
	p2 =	slt.u32 s8, $0xFFFFF086  }
0x1c: {  	p1 =	slt.u32 s9, $0xF7A;
	s5 =	simm.s32 @!p2 $0x0  }
0x1d: {  	s5 =	simm.s32 @p1 $0x1;
	p0 =	seq.s32 s7, s2  }
0x1e: {  	s7 =	smul.u32 @!p0 $0xF7A, s2;
	p2 =	seq.s32 @!p0 s5, $0x0  }
0x1f: {  	s9 =	smul.u32 $0xF7A, s1;
	s8 =	simm.s32 @!p0 $0x1BF5;
	p2 =	por !p2, p0  }
0x20: {  	[sflag:s8] =	ssyncset.s32 @!p0 $0xFFFFF086;
	s6 =	sadd.s32 @!p0 s3, s7;
	s7 =	simm.s32 @!p0 $0x108  }
0x21: {  	s3 =	sadd.s32 s3, s9;
	s6 =	sadd.s32 @!p0 $0x88, s6;
	s7 =	simm.s32 @p2 $0x1082  }
0x22: {  	[simem:s7], [sflag:s8] =	dma.local @!p0 [hbm:s6], $0xF7A  }
0x23: {  	s9 =	sor.u32 $0xD0000000, s2;
	s6 =	simm.s32 $0x108;
	_ =	swait.ge @!p0 [sflag:s8], $0x0  }
0x24: {  	s3 =	sadd.s32 $0x88, s3;
	s6 =	simm.s32 @!p1 $0x1082;
	[sflag:s4] =	ssyncset.s32 $0xFFFFF086  }
0x25: {  	[simem:s6], [sflag:s4] =	dma.local [hbm:s3], $0xF7A  }
0x26: {  	[smem:$0x3F9F] =	sst s1;
	(tag) =	ssettag s2;
	_ =	strace s9  }
0x27: {  	s1 =	sld [smem:$0x3FAF]  }
0x28: {  	s2 =	sld [smem:$0x3FB0]  }
0x29: {  	s4 =	sld [smem:$0x3FB2]  }
0x2a: {  	p0 =	seq.s32 s5, $0x0;
	s5 =	sld [smem:$0x3FB3]  }
0x2b: {  	s6 =	sld [smem:$0x3FB4]  }
0x2c: {  	s7 =	sld [smem:$0x3FB5]  }
0x2d: {  	s3 =	simm.s32 $0x108;
	s8 =	sld [smem:$0x3FB6]  }
0x2e: {  	s3 =	simm.s32 @!p0 $0x1082;
	s9 =	sld [smem:$0x3FB7]  }
0x2f: {  	lr =	sadd.s32 s0, s3;
	s0 =	sld [smem:$0x3FAE]  }
0x30: {  	s3 =	sld [smem:$0x3FB1]  }
0x31: {  	[smem:$0x3FBA] =	sst s10  }
0x32: {  	s10 =	sld [smem:$0x3FB8];
	_ =	sdelay $0x3  }
0x33: {  	p0 =	seq.s32 s10, $0x1;
	s10 =	sld [smem:$0x3FBA];
	_ =	sdelay $0x3  }
0x34: {  	[smem:$0x3FBA] =	sst s10  }
0x35: {  	s10 =	sld [smem:$0x3FB9];
	_ =	sdelay $0x3  }
0x36: {  	p1 =	seq.s32 s10, $0x1;
	s10 =	sld [smem:$0x3FBA];
	_ =	sdelay $0x3  }
0x37: {  	[smem:$0x3FBA] =	sst s10  }
0x38: {  	s10 =	sld [smem:$0x3FBB]  }
0x39: {  	_ = 	snop;
	(pc) =	sbr.ind lr, $3  }
0x3a: {  	_ = 	snop  }
0x3b: {  	_ = 	snop  }
0x3c: {  	p2 =	seq.s32 s10, $0x1;
	s10 =	sld [smem:$0x3FBA]  }
0x3d: {  	_ =	shalt  }
0x3e: {  	_ =	shalt  }
0x3f: {  	_ =	shalt  }
0x40: {  	_ =	shalt  }
0x41: {  	_ =	shalt  }
0x42: {  	_ =	shalt  }
0x43: {  	_ =	shalt  }
0x44: {  	_ =	shalt  }
0x45: {  	_ =	shalt  }
0x46: {  	_ =	shalt  }
0x47: {  	_ =	shalt  }
0x48: {  	_ =	shalt  }
0x49: {  	_ =	shalt  }
0x4a: {  	_ =	shalt  }
0x4b: {  	_ =	shalt  }
0x4c: {  	_ =	shalt  }
0x4d: {  	_ =	shalt  }
0x4e: {  	_ =	shalt  }
0x4f: {  	_ =	shalt  }
0x50: {  	_ =	shalt  }
0x51: {  	_ =	shalt  }
0x52: {  	_ =	shalt  }
0x53: {  	_ =	shalt  }
0x54: {  	_ =	shalt  }
0x55: {  	_ =	shalt  }
0x56: {  	_ =	shalt  }
0x57: {  	_ =	shalt  }
0x58: {  	_ =	shalt  }
0x59: {  	_ =	shalt  }
0x5a: {  	_ =	shalt  }
0x5b: {  	_ =	shalt  }
0x5c: {  	_ =	shalt  }
0x5d: {  	_ =	shalt  }
0x5e: {  	_ =	shalt  }
0x5f: {  	_ =	shalt  }
0x60: {  	_ =	shalt  }
0x61: {  	_ =	shalt  }
0x62: {  	_ =	shalt  }
0x63: {  	_ =	shalt  }
0x64: {  	_ =	shalt  }
0x65: {  	_ =	shalt  }
0x66: {  	_ =	shalt  }
0x67: {  	_ =	shalt  }
0x68: {  	_ =	shalt  }
0x69: {  	_ =	shalt  }
0x6a: {  	_ =	shalt  }
0x6b: {  	_ =	shalt  }
0x6c: {  	_ =	shalt  }
0x6d: {  	_ =	shalt  }
0x6e: {  	_ =	shalt  }
0x6f: {  	_ =	shalt  }
0x70: {  	_ =	shalt  }
0x71: {  	_ =	shalt  }
0x72: {  	_ =	shalt  }
0x73: {  	_ =	shalt  }
0x74: {  	_ =	shalt  }
0x75: {  	_ =	shalt  }
0x76: {  	_ =	shalt  }
0x77: {  	_ =	shalt  }
0x78: {  	_ =	shalt  }
0x79: {  	_ =	shalt  }
0x7a: {  	_ =	shalt  }
0x7b: {  	_ =	shalt  }
0x7c: {  	_ =	shalt  }
0x7d: {  	_ =	shalt  }
0x7e: {  	_ =	shalt  }
0x7f: {  	_ =	shalt  }
0x80: {  	_ =	shalt  }
0x81: {  	_ =	shalt  }
0x82: {  	_ =	shalt  }
0x83: {  	_ =	shalt  }
0x84: {  	_ =	shalt  }
0x85: {  	_ =	shalt  }
0x86: {  	_ =	shalt  }
0x87: {  	_ =	shalt  }
.Lfunc_end0:
.L_simem_size_0:
called_computation_lowered:
.L_overlay_start_0:
0x88: {  	s2 =	sld [smem:$0x3FD9]  }
0x89: {  	s3 =	sld [smem:$0x3FFE];
	_ =	sdelay $0x1  }
0x8a: {  	s1 =	srdreg.scid  }
0x8b: {  	s0 =	sand.u32 $0x1, s1  }
0x8c: {  	s17 =	sshll.u32 s0, $0xA;
	s2 =	sadd.s32 s3, s2  }
0x8d: {  	s2 =	sadd.s32 s2, s17  }
0x8e: {  	[smem:$0x3FC6] =	sst s2  }
0x8f: {  	_ = 	snop  }
0x90: {  	s2 =	sld [smem:$0x3FD0];
	(tm) =	ssettm $0x1  }
0x91: {  	s18 =	sld [smem:$0x3FFB];
	_ =	sdelay $0x3  }
0x92: {  	_ =	strace s18  }
0x93: {  	s3 =	sld [smem:$0x3FFC];
	_ =	sdelay $0x3  }
0x94: {  	_ =	strace s3  }
0x95: {  	s3 =	sld [smem:$0x3FFD];
	_ =	sdelay $0x3  }
0x96: {  	_ =	strace s3  }
0x97: {  	_ =	strace $0x8FFFFFFF  }
0x98: {  	s19 =	sld [smem:$0x3FDB];
	_ =	sdelay $0x1  }
0x99: {  	s4 =	simm.s32 $_scs_section_size  }
0x9a: {  	s5 =	simm.s32 $_size__tile_overlayer_lowered;
	s6 =	simm.s32 $_tile_overlayer_lowered  }
0x9b: {  	s22 =	simm.s32 $0x1BFF;
	s21 =	sshll.u32 s6, $0x1;
	s3 =	sadd.s32 s4, s19  }
0x9c: {  	s7 =	simm.s32 $0x0;
	s20 =	sshll.u32 s5, $0x1;
	s5 =	sadd.s32 s21, s3  }
0x9d: {  	[timem:s7], [sflag:s22] =	dma.local [hbm:s5], s20  }
0x9e: {  	_ =	swait.ge [sflag:s22], s20  }
0x9f: {  	s4 =	ssub.s32 $0x0, s20;
	[sflag:s22] =	ssyncset.done $0x0  }
0xa0: {  	[sflag:s22] =	ssyncadd.s32 s4;
	_ =	sdelay $0x1  }
0xa1: {  	s23 =	simm.s32 $0x1B8B  }
0xa2: {  	_ =	swait.ge [sflag:s23], $0x1  }
0xa3: {  	[sflag:s23] =	ssyncset.done $0x0  }
0xa4: {  	s25 =	simm.s32 $0x1B8E;
	s24 =	sld [smem:$0x3FFE];
	[sflag:s23] =	ssyncadd.s32 $0xFFFFFFFF  }
0xa5: {  	s26 =	simm.s32 $execute0_lowered;
	[smem:$0x3FD2] =	sst s25  }
0xa6: {  	s5 =	sshll.u32 s26, $0x1;
	_ =	strace $0x80000046;
	[dreg:$0x1] =	wrdreg $0xFFFFFFFF  }
0xa7: {  	s28 =	simm.s32 $_size_execute0_lowered;
	s3 =	sadd.s32 s3, s5;
	[dreg:$0x0] =	wrdreg $0x0  }
0xa8: {  	s5 =	sshll.u32 s28, $0x1;
	[dreg:$0x2] =	wrdreg s3  }
0xa9: {  	[dreg:$0x3] =	wrdreg s5  }
0xaa: {  	[dreg:$0x4] =	wrdreg $0xC0  }
0xab: {  	_ =	task [dreg:s7], $0x5FFFF  }
0xac: {  	[dreg:$0x1] =	wrdreg $0xFFFFFFFF  }
0xad: {  	[dreg:$0x0] =	wrdreg $0x60  }
0xae: {  	[dreg:$0x2] =	wrdreg s24  }
0xaf: {  	[dreg:$0x3] =	wrdreg s2  }
0xb0: {  	[dreg:$0x4] =	wrdreg $0x0  }
0xb1: {  	[dreg:$0x5] =	wrdreg $0x9  }
0xb2: {  	_ =	task.clear_ibuf [dreg:s7], $0x6FFFF;
	_ =	strace $0x90000046  }
0xb3: {  	s29 =	simm.s32 $0x9;
	_ =	strace $0x80000048  }
0xb4: {  	_ =	swait.ge [sflag:s29], $0x1  }
0xb5: {  	[sflag:s29] =	ssyncadd.s32 $0xFFFFFFFF  }
0xb6: {  	_ =	strace $0x90000048  }
0xb7: {  	_ =	sfence  }
0xb8: {  	s30 =	sld [smem:$0x0];
	_ =	sdelay $0x2  }
0xb9: {  	s31 =	sshll.u32 s1, $0xD;
	s1 =	sshrl.u32 s1, $0x2  }
0xba: {  	s3 =	sand.u32 $0x4000, s31;
	s1 =	sadd.s32 s1, s30  }
0xbb: {  	s0 =	sor.u32 s3, s0;
	s1 =	sshll.u32 s1, $0x11  }
0xbc: {  	s0 =	sor.u32 s1, s0  }
0xbd: {  	s0 =	sadd.s32 $0x8F2B, s0  }
0xbe: {  	[sflag:s0] =	ssyncadd.remote.s32 $0x1  }
0xbf: {  	_ =	sfence.sel $0xFFFF  }
0xc0: {  	[dreg:$0x0] =	wrdreg $0xFFFFFFFF;
	(pc) =	sbr.abs _section_cstart, $3  }
0xc1: {  	[dreg:$0x1] =	wrdreg $0xFFFFFFFF  }
0xc2: {  	_ =	task.clear_ibuf [dreg:s7], $0x2FFFF;
	_ =	strace $0x9FFFFFFF  }
0xc3: {  	(tm) =	ssettm $0x7FFFFFFF  }
tec
execute0_lowered:
.L_overlay_start_1:
0x0: {  	(tag) =	ssettag $0x1  }
0x1: {  	s1 =	rddreg [dreg:$0x0]  }
0x2: {  	s2 =	srdreg.scid;
	s0 =	rddreg [dreg:$0x1]  }
0x3: {  	s3 =	stileid.u32;
	s7 =	simm.s32 $0x0;
	s14 =	simm.s32 $0x3200  }
0x4: {  	s15 =	simm.s32 $0x5;
	s17 =	simm.s32 $0x1C8A0;
	s18 =	simm.s32 $0x1  }
0x5: {  	s19 =	simm.s32 $0x80;
	s20 =	simm.s32 $0x400;
	s21 =	simm.s32 $0x1D8A0  }
0x6: {  	s22 =	simm.s32 $0x2;
	s4 =	sand.u32 $0x1, s2;
	s2 =	rddreg [dreg:$0x2]  }
0x7: {  	s23 =	simm.s32 $0x1E8A0;
	s5 =	sshll.u32 s3, $0x2;
	[smem:$0x7FF] =	sst s7  }
0x8: {  	s10 =	sadd.s32 $0x6800, s1;
	s1 =	sadd.s32 $0x400, s1;
	s28 =	sshll.u32 s3, $0xB  }
0x9: {  	s9 =	sadd.s32 $0x8000, s0;
	p0 =	sne.s32 s3, $0x0;
	s6 =	sshll.u32 s4, $0x1  }
0xa: {  	s4 =	ssub.s32 $0x2, s4;
	_ =	strace $0x80000047;
	[dreg:$0x4] =	wrdreg s1  }
0xb: {  	s7 =	sand.u32 $0x7000, s28;
	s5 =	sor.u32 s6, s5;
	s24 =	sshrl.u32 s4, $0x1  }
0xc: {  	s6 =	smul.u32 $0x30D4, s5;
	s25 =	ssub.s32 s4, s24;
	s11 =	sor.u32 $0x1, s5  }
0xd: {  	s29 =	sshll.u32 s5, $0x4;
	s24 =	simm.s32 $0x3;
	s30 =	smul.u32 $0x30D4, s11  }
.Ltmp0:
0xe: {  	s8 =	sand.u32 $0x60, s29;
	s1 =	smax.u32 s25, $0x1;
	(pc) =	sbr.rel .LBB2_1-.Ltmp0, $4  }
0xf: {  	s31 =	sshll.u32 s11, $0x4;
	s26 =	sadd.s32 s10, s6;
	[dreg:$0x7] =	wrdreg s1  }
0x10: {  	s25 =	simm.s32 $0x4;
	s1 =	sshrl.u32 @!p0 s2, $0x3;
	[dreg:$0x5] =	wrdreg s26  }
0x11: {  	s6 =	sadd.s32 $0x1000, s2;
	s5 =	sadd.s32 s10, s30;
	[dreg:$0x8] =	wrdreg s1  }
0x12: {  	s11 =	sand.u32 $0x70, s31;
	s26 =	simm.s32 $0x0;
	[dreg:$0x6] =	wrdreg s5  }
.LBB2_15:
0x13: {  	_ =	swait.ge [sflag:s24], $0x1000  }
0x14: {  	[sflag:s24] =	ssyncset.done $0x0  }
0x15: {  	[sflag:s24] =	ssyncadd.s32 $0xFFFFF000  }
0x16: {  	_ =	swait.ge [sflag:s25], $0x1000  }
0x17: {  	s26 =	sadd.s32 $0x1, s26;
	s1 =	rddreg [dreg:$0x7]  }
0x18: {  	p1 =	sne.s32 s26, s1  }
.Ltmp1:
0x19: {  	_ = 	snop;
	(pc) =	sbr.rel @!p1 .LBB2_16-.Ltmp1, $3  }
0x1a: {  	_ =	sdelay $0x1  }
0x1b: {  	[sflag:s25] =	ssyncset.done $0x0  }
0x1c: {  	[sflag:s25] =	ssyncadd.s32 $0xFFFFF000  }
.LBB2_1:
0x1d: {  	s3 =	rddreg [dreg:$0x4]  }
0x1e: {  	s1 =	simm.s32 @!p0 $0x1C05;
	s4 =	rddreg [dreg:$0x8]  }
0x1f: {  	[spmem:s4], [sflag:s1] =	dma.local @!p0 [hbm:s3], $0x6400  }
0x20: {  	s1 =	simm.s32 @!p0 $0x5  }
0x21: {  	_ =	swait.ge @!p0 [sflag:s1], $0x6400  }
0x22: {  	[sflag:s1] =	ssyncset.done @!p0 $0x0  }
0x23: {  	[sflag:s1] =	ssyncadd.s32 @!p0 $0xFFFF9C00  }
0x24: {  	[bflag:$0x0] =	sbarrier.arrive $0xFFFF  }
0x25: {  	s29 =	simm.s32 $0x0;
	s30 =	rddreg [dreg:$0x5]  }
0x26: {  	[tilespmem:s14], [sflag:$0x5] =	stream.linear.gather [hbm4b:s30+s29], $0x186A0, $0x38;
	[tilespmem:$0x1F8A0] =	vst v63  }
0x27: {  	_ =	swait.ge [sflag:s15], $0x186A0  }
0x28: {  	[sflag:s15] =	ssyncset.done $0x0  }
0x29: {  	s31 =	simm.s32 $0x1B8A0;
	[sflag:s15] =	ssyncadd.s32 $0xFFFE7960  }
0x2a: {  	[tilespmem:s31], [sflag:$0x1] =	stream.linear.gather [spmem:s2], $0x1000, $0x38;
	[tilespmem:$0x1F8A0] =	vst v63  }
0x2b: {  	s28 =	simm.s32 $0x0  }
0x2c: {  	[tilespmem:s17], [sflag:$0x2] =	stream.linear.gather [spmem:s6], $0x1000, $0x38;
	[tilespmem:$0x1F8A0] =	vst v63  }
.LBB2_2:
0x2d: {  	p1 =	seq.s32 s28, $0x0  }
0x2e: {  	s1 =	simm.s32 @!p1 $0x3  }
0x2f: {  	_ =	swait.ge @!p1 [sflag:s1], $0x1000  }
0x30: {  	[sflag:s1] =	ssyncset.done @!p1 $0x0  }
0x31: {  	[sflag:s1] =	ssyncadd.s32 @!p1 $0xFFFFF000  }
0x32: {  	_ =	swait.ge [sflag:s18], $0x1000  }
0x33: {  	[sflag:s18] =	ssyncset.done $0x0  }
0x34: {  	s5 =	simm.s32 $0x1B920;
	[sflag:s18] =	ssyncadd.s32 $0xFFFFF000  }
0x35: {  	v0 =	vld [tilespmem:s5+$0x0];
	_ =	sdelay $0x1  }
0x36: {  	v1 =	vld [tilespmem:s5+$0xFFFFFF80];
	_ =	sdelay $0x5  }
0x37: {  	v0 =	vld.idx.msk [tilespmem:v0+s14+$0x0], $0xffff;
	_ =	sdelay $0x1  }
0x38: {  	v1 =	vld.idx.msk [tilespmem:v1+s14+$0x0], $0xffff;
	_ =	sdelay $0x1  }
0x39: {  	s29 =	simm.s32 $0x1D920  }
0x3a: {  	[tilespmem:s29+$0x0] =	vst v0  }
0x3b: {  	v0 =	vld [tilespmem:s5+$0x10]  }
0x3c: {  	[tilespmem:s29+$0xFFFFFF80] =	vst v1  }
0x3d: {  	v1 =	vld [tilespmem:s5+$0xFFFFFF90];
	_ =	sdelay $0x3  }
0x3e: {  	s31 =	simm.s32 $0x1BA20  }
0x3f: {  	v2 =	vld [tilespmem:s31+$0x0]  }
0x40: {  	v0 =	vld.idx.msk [tilespmem:v0+s14+$0x0], $0xffff;
	_ =	sdelay $0x1  }
0x41: {  	v1 =	vld.idx.msk [tilespmem:v1+s14+$0x0], $0xffff;
	_ =	sdelay $0x2  }
0x42: {  	[tilespmem:s29+$0x10] =	vst v0  }
0x43: {  	v0 =	vld [tilespmem:s5+$0x20]  }
0x44: {  	[tilespmem:s29+$0xFFFFFF90] =	vst v1;
	v1 =	vld.idx.msk [tilespmem:v2+s14+$0x0], $0xffff  }
0x45: {  	v3 =	vld [tilespmem:s31+$0xFFFFFF80];
	_ =	sdelay $0x1  }
0x46: {  	v2 =	vld [tilespmem:s5+$0xFFFFFFA0]  }
0x47: {  	s30 =	simm.s32 $0x1DA20  }
0x48: {  	[tilespmem:s30+$0x0] =	vst v1  }
0x49: {  	v1 =	vld [tilespmem:s31+$0x10]  }
0x4a: {  	v0 =	vld.idx.msk [tilespmem:v0+s14+$0x0], $0xffff;
	_ =	sdelay $0x1  }
0x4b: {  	v3 =	vld.idx.msk [tilespmem:v3+s14+$0x0], $0xffff;
	_ =	sdelay $0x1  }
0x4c: {  	v2 =	vld.idx.msk [tilespmem:v2+s14+$0x0], $0xffff  }
0x4d: {  	[tilespmem:s29+$0x20] =	vst v0  }
0x4e: {  	v0 =	vld [tilespmem:s5+$0x30]  }
0x4f: {  	[tilespmem:s30+$0xFFFFFF80] =	vst v3;
	v1 =	vld.idx.msk [tilespmem:v1+s14+$0x0], $0xffff  }
0x50: {  	v3 =	vld [tilespmem:s31+$0xFFFFFF90]  }
0x51: {  	[tilespmem:s29+$0xFFFFFFA0] =	vst v2  }
0x52: {  	v2 =	vld [tilespmem:s5+$0xFFFFFFB0];
	_ =	sdelay $0x1  }
0x53: {  	[tilespmem:s30+$0x10] =	vst v1  }
0x54: {  	v1 =	vld [tilespmem:s31+$0x20]  }
0x55: {  	s3 =	simm.s32 $0x1BB20;
	v0 =	vld.idx.msk [tilespmem:v0+s14+$0x0], $0xffff  }
0x56: {  	v4 =	vld [tilespmem:s3+$0x0]  }
0x57: {  	v3 =	vld.idx.msk [tilespmem:v3+s14+$0x0], $0xffff  }
0x58: {  	v5 =	vld [tilespmem:s3+$0xFFFFFF80]  }
0x59: {  	v2 =	vld.idx.msk [tilespmem:v2+s14+$0x0], $0xffff  }
0x5a: {  	[tilespmem:s29+$0x30] =	vst v0  }
0x5b: {  	v0 =	vld [tilespmem:s5+$0x40]  }
0x5c: {  	[tilespmem:s30+$0xFFFFFF90] =	vst v3;
	v1 =	vld.idx.msk [tilespmem:v1+s14+$0x0], $0xffff  }
0x5d: {  	v3 =	vld [tilespmem:s31+$0xFFFFFFA0]  }
0x5e: {  	v4 =	vld.idx.msk [tilespmem:v4+s14+$0x0], $0xffff;
	[tilespmem:s29+$0xFFFFFFB0] =	vst v2  }
0x5f: {  	v2 =	vld [tilespmem:s5+$0xFFFFFFC0]  }
0x60: {  	s16 =	simm.s32 $0x1BC20;
	v5 =	vld.idx.msk [tilespmem:v5+s14+$0x0], $0xffff  }
0x61: {  	v6 =	vld [tilespmem:s16+$0x0];
	[tilespmem:s30+$0x20] =	vst v1  }
0x62: {  	s1 =	simm.s32 $0x1DB20;
	v1 =	vld [tilespmem:s31+$0x30]  }
0x63: {  	[tilespmem:s1+$0x0] =	vst v4;
	v0 =	vld.idx.msk [tilespmem:v0+s14+$0x0], $0xffff  }
0x64: {  	v4 =	vld [tilespmem:s3+$0x10]  }
0x65: {  	[tilespmem:s1+$0xFFFFFF80] =	vst v5;
	v3 =	vld.idx.msk [tilespmem:v3+s14+$0x0], $0xffff  }
0x66: {  	v5 =	vld [tilespmem:s3+$0xFFFFFF90]  }
0x67: {  	v2 =	vld.idx.msk [tilespmem:v2+s14+$0x0], $0xffff  }
0x68: {  	v7 =	vld [tilespmem:s16+$0xFFFFFF80];
	[tilespmem:s29+$0x40] =	vst v0  }
0x69: {  	v0 =	vld [tilespmem:s5+$0x50]  }
0x6a: {  	[tilespmem:s30+$0xFFFFFFA0] =	vst v3;
	v1 =	vld.idx.msk [tilespmem:v1+s14+$0x0], $0xffff  }
0x6b: {  	v3 =	vld [tilespmem:s31+$0xFFFFFFB0]  }
0x6c: {  	v4 =	vld.idx.msk [tilespmem:v4+s14+$0x0], $0xffff;
	[tilespmem:s29+$0xFFFFFFC0] =	vst v2  }
0x6d: {  	v2 =	vld [tilespmem:s5+$0xFFFFFFD0]  }
0x6e: {  	v5 =	vld.idx.msk [tilespmem:v5+s14+$0x0], $0xffff  }
0x6f: {  	v6 =	vld.idx.msk [tilespmem:v6+s14+$0x0], $0xffff;
	[tilespmem:s30+$0x30] =	vst v1  }
0x70: {  	v1 =	vld [tilespmem:s31+$0x40]  }
0x71: {  	[tilespmem:s1+$0x10] =	vst v4;
	v0 =	vld.idx.msk [tilespmem:v0+s14+$0x0], $0xffff  }
0x72: {  	v4 =	vld [tilespmem:s3+$0x20]  }
0x73: {  	[tilespmem:s1+$0xFFFFFF90] =	vst v5;
	v3 =	vld.idx.msk [tilespmem:v3+s14+$0x0], $0xffff  }
0x74: {  	v5 =	vld [tilespmem:s3+$0xFFFFFFA0]  }
0x75: {  	v2 =	vld.idx.msk [tilespmem:v2+s14+$0x0], $0xffff  }
0x76: {  	v7 =	vld.idx.msk [tilespmem:v7+s14+$0x0], $0xffff;
	[tilespmem:s29+$0x50] =	vst v0  }
0x77: {  	v0 =	vld [tilespmem:s5+$0x60]  }
0x78: {  	s4 =	simm.s32 $0x1DC20;
	[tilespmem:s30+$0xFFFFFFB0] =	vst v3;
	v1 =	vld.idx.msk [tilespmem:v1+s14+$0x0], $0xffff  }
0x79: {  	[tilespmem:s4+$0x0] =	vst v6;
	v3 =	vld [tilespmem:s31+$0xFFFFFFC0]  }
0x7a: {  	[tilespmem:s29+$0xFFFFFFD0] =	vst v2;
	v2 =	vld.idx.msk [tilespmem:v4+s14+$0x0], $0xffff  }
0x7b: {  	v6 =	vld [tilespmem:s16+$0x10]  }
0x7c: {  	v4 =	vld [tilespmem:s5+$0xFFFFFFE0]  }
0x7d: {  	v5 =	vld.idx.msk [tilespmem:v5+s14+$0x0], $0xffff;
	[tilespmem:s30+$0x40] =	vst v1  }
0x7e: {  	v1 =	vld [tilespmem:s31+$0x50]  }
0x7f: {  	[tilespmem:s1+$0x20] =	vst v2;
	v0 =	vld.idx.msk [tilespmem:v0+s14+$0x0], $0xffff  }
0x80: {  	v2 =	vld [tilespmem:s3+$0x30]  }
0x81: {  	[tilespmem:s4+$0xFFFFFF80] =	vst v7;
	v3 =	vld.idx.msk [tilespmem:v3+s14+$0x0], $0xffff  }
0x82: {  	v8 =	vld [tilespmem:s16+$0xFFFFFF90];
	[tilespmem:s1+$0xFFFFFFA0] =	vst v5  }
0x83: {  	v9 =	vld [tilespmem:s3+$0xFFFFFFB0]  }
0x84: {  	v4 =	vld.idx.msk [tilespmem:v4+s14+$0x0], $0xffff;
	[tilespmem:s29+$0x60] =	vst v0  }
0x85: {  	v0 =	vld [tilespmem:s5+$0x70]  }
0x86: {  	[tilespmem:s30+$0xFFFFFFC0] =	vst v3;
	v1 =	vld.idx.msk [tilespmem:v1+s14+$0x0], $0xffff  }
0x87: {  	v10 =	vld [tilespmem:s31+$0xFFFFFFD0]  }
0x88: {  	v2 =	vld.idx.msk [tilespmem:v2+s14+$0x0], $0xffff  }
0x89: {  	[tilespmem:s29+$0xFFFFFFE0] =	vst v4;
	v4 =	vld.idx.msk [tilespmem:v6+s14+$0x0], $0xffff;
	_ =	sdelay $0x1  }
0x8a: {  	v5 =	vld.idx.msk [tilespmem:v8+s14+$0x0], $0xffff;
	[tilespmem:s30+$0x50] =	vst v1  }
0x8b: {  	v1 =	vld [tilespmem:s31+$0x60]  }
0x8c: {  	[tilespmem:s1+$0x30] =	vst v2;
	v7 =	vld.idx.msk [tilespmem:v0+s14+$0x0], $0xffff  }
0x8d: {  	[tilespmem:s4+$0x10] =	vst v4;
	v4 =	vld.idx.msk [tilespmem:v9+s14+$0x0], $0xffff  }
0x8e: {  	v3 =	vld [tilespmem:s3+$0x40]  }
0x8f: {  	v2 =	vld.idx.msk [tilespmem:v10+s14+$0x0], $0xffff  }
0x90: {  	v6 =	vld [tilespmem:s16+$0x20]  }
0x91: {  	s10 =	simm.s32 $0x1BD20;
	v0 =	vld [tilespmem:s5+$0xFFFFFFF0];
	s5 =	simm.s32 $0x6;
	[tilespmem:s29+$0x70] =	vst v7  }
.LBB2_3:
0x92: {  	v7 =	vld [tilespmem:s10+$0x0];
	s5 =	sadd.s32 $0x2, s5;
	s12 =	smov.u32 s1;
	s1 =	smov.u32 s4  }
0x93: {  	v8 =	vld [tilespmem:s10+$0xFFFFFF80];
	p1 =	slt.u32 s5, $0x1E;
	[tilespmem:s4+$0xFFFFFF90] =	vst v5  }
0x94: {  	v1 =	vld.idx.msk [tilespmem:v1+s14+$0x0], $0xffff  }
0x95: {  	v5 =	vld [tilespmem:s16+$0xFFFFFFA0];
	[tilespmem:s12+$0xFFFFFFB0] =	vst v4  }
0x96: {  	v3 =	vld.idx.msk [tilespmem:v3+s14+$0x0], $0xffff  }
0x97: {  	v4 =	vld [tilespmem:s3+$0xFFFFFFC0];
	[tilespmem:s30+$0xFFFFFFD0] =	vst v2  }
0x98: {  	v2 =	vld.idx.msk [tilespmem:v6+s14+$0x0], $0xffff  }
0x99: {  	v6 =	vld [tilespmem:s31+$0xFFFFFFE0]  }
0x9a: {  	v7 =	vld.idx.msk [tilespmem:v7+s14+$0x0], $0xffff;
	[tilespmem:s30+$0x60] =	vst v1  }
0x9b: {  	v1 =	vld [tilespmem:s31+$0x70]  }
0x9c: {  	v8 =	vld.idx.msk [tilespmem:v8+s14+$0x0], $0xffff;
	[tilespmem:s12+$0x40] =	vst v3  }
0x9d: {  	v3 =	vld [tilespmem:s3+$0x50]  }
0x9e: {  	v5 =	vld.idx.msk [tilespmem:v5+s14+$0x0], $0xffff;
	[tilespmem:s4+$0x20] =	vst v2  }
0x9f: {  	s4 =	sadd.s32 $0x100, s4;
	v2 =	vld [tilespmem:s16+$0x30]  }
0xa0: {  	[tilespmem:s4+$0x0] =	vst v7;
	v4 =	vld.idx.msk [tilespmem:v4+s14+$0x0], $0xffff  }
0xa1: {  	v7 =	vld [tilespmem:s10+$0x10]  }
0xa2: {  	[tilespmem:s4+$0xFFFFFF80] =	vst v8;
	v6 =	vld.idx.msk [tilespmem:v6+s14+$0x0], $0xffff  }
0xa3: {  	v1 =	vld.idx.msk [tilespmem:v1+s14+$0x0], $0xffff  }
0xa4: {  	v8 =	vld [tilespmem:s10+$0xFFFFFF90];
	[tilespmem:s1+$0xFFFFFFA0] =	vst v5  }
0xa5: {  	v3 =	vld.idx.msk [tilespmem:v3+s14+$0x0], $0xffff  }
0xa6: {  	v9 =	vld [tilespmem:s16+$0xFFFFFFB0];
	[tilespmem:s12+$0xFFFFFFC0] =	vst v4  }
0xa7: {  	v2 =	vld.idx.msk [tilespmem:v2+s14+$0x0], $0xffff  }
0xa8: {  	v10 =	vld [tilespmem:s3+$0xFFFFFFD0];
	[tilespmem:s30+$0xFFFFFFE0] =	vst v6  }
0xa9: {  	v4 =	vld.idx.msk [tilespmem:v7+s14+$0x0], $0xffff;
	[tilespmem:s30+$0x70] =	vst v1  }
0xaa: {  	v6 =	vld [tilespmem:s31+$0xFFFFFFF0];
	s31 =	smov.u32 s3;
	s3 =	smov.u32 s16;
	s16 =	smov.u32 s10  }
0xab: {  	[tilespmem:s12+$0x50] =	vst v3;
	v7 =	vld.idx.msk [tilespmem:v0+s14+$0x0], $0xffff  }
0xac: {  	v1 =	vld [tilespmem:s31+$0x60]  }
.Ltmp2:
0xad: {  	v5 =	vld.idx.msk [tilespmem:v8+s14+$0x0], $0xffff;
	[tilespmem:s1+$0x30] =	vst v2;
	(pc) =	sbr.rel @p1 .LBB2_3-.Ltmp2, $4  }
0xae: {  	v3 =	vld [tilespmem:s3+$0x40]  }
0xaf: {  	[tilespmem:s4+$0x10] =	vst v4;
	v4 =	vld.idx.msk [tilespmem:v9+s14+$0x0], $0xffff;
	v0 =	vmov v6  }
0xb0: {  	v6 =	vld [tilespmem:s10+$0x20]  }
0xb1: {  	s10 =	sadd.s32 $0x100, s10;
	v2 =	vld.idx.msk [tilespmem:v10+s14+$0x0], $0xffff;
	[tilespmem:s29+$0xFFFFFFF0] =	vst v7;
	s29 =	smov.u32 s30;
	s30 =	smov.u32 s12  }
0xb2: {  	[tilespmem:s4+$0xFFFFFF90] =	vst v5  }
0xb3: {  	v5 =	vld [tilespmem:s16+$0xFFFFFFA0];
	_ =	sdelay $0x6  }
0xb4: {  	v6 =	vld.idx.msk [tilespmem:v6+s14+$0x0], $0xffff  }
0xb5: {  	v5 =	vld.idx.msk [tilespmem:v5+s14+$0x0], $0xffff;
	_ =	sdelay $0x3  }
0xb6: {  	[tilespmem:s4+$0x20] =	vst v6  }
0xb7: {  	v6 =	vld [tilespmem:s16+$0x30];
	[tilespmem:s4+$0xFFFFFFA0] =	vst v5  }
0xb8: {  	v5 =	vld [tilespmem:s16+$0xFFFFFFB0];
	_ =	sdelay $0x6  }
0xb9: {  	v6 =	vld.idx.msk [tilespmem:v6+s14+$0x0], $0xffff  }
0xba: {  	v5 =	vld.idx.msk [tilespmem:v5+s14+$0x0], $0xffff;
	_ =	sdelay $0x2  }
0xbb: {  	[tilespmem:s1+$0xFFFFFFB0] =	vst v4  }
0xbc: {  	[tilespmem:s4+$0x30] =	vst v6;
	v6 =	vld [tilespmem:s3+$0xFFFFFFC0]  }
0xbd: {  	v4 =	vld [tilespmem:s16+$0x40];
	[tilespmem:s4+$0xFFFFFFB0] =	vst v5  }
0xbe: {  	v5 =	vld [tilespmem:s16+$0xFFFFFFC0];
	_ =	sdelay $0x4  }
0xbf: {  	v3 =	vld.idx.msk [tilespmem:v3+s14+$0x0], $0xffff  }
0xc0: {  	v6 =	vld.idx.msk [tilespmem:v6+s14+$0x0], $0xffff  }
0xc1: {  	v4 =	vld.idx.msk [tilespmem:v4+s14+$0x0], $0xffff  }
0xc2: {  	v5 =	vld.idx.msk [tilespmem:v5+s14+$0x0], $0xffff;
	_ =	sdelay $0x1  }
0xc3: {  	[tilespmem:s1+$0x40] =	vst v3  }
0xc4: {  	v3 =	vld [tilespmem:s3+$0x50];
	[tilespmem:s1+$0xFFFFFFC0] =	vst v6  }
0xc5: {  	[tilespmem:s4+$0x40] =	vst v4;
	v6 =	vld [tilespmem:s3+$0xFFFFFFD0]  }
0xc6: {  	v4 =	vld [tilespmem:s16+$0x50];
	[tilespmem:s4+$0xFFFFFFC0] =	vst v5  }
0xc7: {  	v5 =	vld [tilespmem:s16+$0xFFFFFFD0];
	_ =	sdelay $0x4  }
0xc8: {  	v3 =	vld.idx.msk [tilespmem:v3+s14+$0x0], $0xffff  }
0xc9: {  	v6 =	vld.idx.msk [tilespmem:v6+s14+$0x0], $0xffff  }
0xca: {  	v4 =	vld.idx.msk [tilespmem:v4+s14+$0x0], $0xffff  }
0xcb: {  	v5 =	vld.idx.msk [tilespmem:v5+s14+$0x0], $0xffff  }
0xcc: {  	v1 =	vld.idx.msk [tilespmem:v1+s14+$0x0], $0xffff;
	[tilespmem:s30+$0xFFFFFFD0] =	vst v2  }
0xcd: {  	[tilespmem:s1+$0x50] =	vst v3;
	v3 =	vld [tilespmem:s31+$0xFFFFFFE0]  }
0xce: {  	v2 =	vld [tilespmem:s3+$0x60];
	[tilespmem:s1+$0xFFFFFFD0] =	vst v6  }
0xcf: {  	[tilespmem:s4+$0x50] =	vst v4;
	v6 =	vld [tilespmem:s3+$0xFFFFFFE0]  }
0xd0: {  	v4 =	vld [tilespmem:s16+$0x60];
	[tilespmem:s4+$0xFFFFFFD0] =	vst v5  }
0xd1: {  	v5 =	vld [tilespmem:s16+$0xFFFFFFE0];
	_ =	sdelay $0x1  }
0xd2: {  	[tilespmem:s30+$0x60] =	vst v1  }
0xd3: {  	v1 =	vld [tilespmem:s31+$0x70]  }
0xd4: {  	v3 =	vld.idx.msk [tilespmem:v3+s14+$0x0], $0xffff  }
0xd5: {  	v2 =	vld.idx.msk [tilespmem:v2+s14+$0x0], $0xffff  }
0xd6: {  	v6 =	vld.idx.msk [tilespmem:v6+s14+$0x0], $0xffff  }
0xd7: {  	v4 =	vld.idx.msk [tilespmem:v4+s14+$0x0], $0xffff  }
0xd8: {  	v5 =	vld.idx.msk [tilespmem:v5+s14+$0x0], $0xffff  }
0xd9: {  	[tilespmem:s30+$0xFFFFFFE0] =	vst v3  }
0xda: {  	[tilespmem:s1+$0x60] =	vst v2;
	v3 =	vld [tilespmem:s31+$0xFFFFFFF0]  }
0xdb: {  	v2 =	vld [tilespmem:s3+$0x70];
	[tilespmem:s1+$0xFFFFFFE0] =	vst v6  }
0xdc: {  	[tilespmem:s4+$0x60] =	vst v4;
	v6 =	vld [tilespmem:s3+$0xFFFFFFF0]  }
0xdd: {  	v4 =	vld [tilespmem:s16+$0x70];
	[tilespmem:s4+$0xFFFFFFE0] =	vst v5  }
0xde: {  	v5 =	vld [tilespmem:s16+$0xFFFFFFF0]  }
0xdf: {  	v1 =	vld.idx.msk [tilespmem:v1+s14+$0x0], $0xffff;
	_ =	sdelay $0x1  }
0xe0: {  	v0 =	vld.idx.msk [tilespmem:v0+s14+$0x0], $0xffff  }
0xe1: {  	v3 =	vld.idx.msk [tilespmem:v3+s14+$0x0], $0xffff  }
0xe2: {  	v2 =	vld.idx.msk [tilespmem:v2+s14+$0x0], $0xffff  }
0xe3: {  	[tilespmem:s30+$0x70] =	vst v1;
	v1 =	vld.idx.msk [tilespmem:v6+s14+$0x0], $0xffff  }
0xe4: {  	v4 =	vld.idx.msk [tilespmem:v4+s14+$0x0], $0xffff  }
0xe5: {  	[tilespmem:s29+$0xFFFFFFF0] =	vst v0;
	v0 =	vld.idx.msk [tilespmem:v5+s14+$0x0], $0xffff  }
0xe6: {  	[tilespmem:s30+$0xFFFFFFF0] =	vst v3  }
0xe7: {  	s13 =	sshll.u32 s28, $0x10;
	p1 =	seq.s32 s28, $0x18;
	[tilespmem:s1+$0x70] =	vst v2  }
0xe8: {  	s3 =	sor.u32 s13, s8;
	[tilespmem:s1+$0xFFFFFFF0] =	vst v1;
	s1 =	sshll.u32 @!p1 s28, $0xD  }
0xe9: {  	s29 =	sor.u32 s7, s3;
	[tilespmem:s4+$0x70] =	vst v4;
	s1 =	sand.u32 @!p1 $0x3FFFE000, s1  }
0xea: {  	p2 =	seq.s32 @!p1 s28, $0x0;
	s16 =	sadd.s32 s0, s29;
	s1 =	sadd.s32 @!p1 s1, s2;
	[tilespmem:s4+$0xFFFFFFF0] =	vst v0  }
0xeb: {  	[hbm4b:s16+s19] =	stream.strided.scatter [tilespmem:s21], [sflag:$0x3], $0x1000, s20, s19, $0x38;
	[tilespmem:$0x1F8A0] =	vst v63  }
0xec: {  	p2 =	por p1, !p2;
	s3 =	simm.s32 @!p1 $0x1B8A0;
	s1 =	sadd.s32 @!p1 $0x2000, s1  }
0xed: {  	[tilespmem:s3], [sflag:$0x1] =	stream.linear.gather @!p1 [spmem:s1], $0x1000, $0x38;
	[tilespmem:$0x1F8A0] =	vst v63  }
0xee: {  	_ =	swait.ge @p2 [sflag:s25], $0x1000  }
0xef: {  	[sflag:s25] =	ssyncset.done @p2 $0x0  }
0xf0: {  	[sflag:s25] =	ssyncadd.s32 @p2 $0xFFFFF000  }
0xf1: {  	_ =	swait.ge [sflag:s22], $0x1000  }
0xf2: {  	[sflag:s22] =	ssyncset.done $0x0  }
0xf3: {  	s10 =	simm.s32 $0x1C920;
	[sflag:s22] =	ssyncadd.s32 $0xFFFFF000  }
0xf4: {  	v0 =	vld [tilespmem:s10+$0x0];
	_ =	sdelay $0x1  }
0xf5: {  	v1 =	vld [tilespmem:s10+$0xFFFFFF80];
	_ =	sdelay $0x5  }
0xf6: {  	v0 =	vld.idx.msk [tilespmem:v0+s14+$0x0], $0xffff;
	_ =	sdelay $0x1  }
0xf7: {  	v1 =	vld.idx.msk [tilespmem:v1+s14+$0x0], $0xffff;
	_ =	sdelay $0x1  }
0xf8: {  	s30 =	simm.s32 $0x1E920  }
0xf9: {  	[tilespmem:s30+$0x0] =	vst v0  }
0xfa: {  	v0 =	vld [tilespmem:s10+$0x10]  }
0xfb: {  	[tilespmem:s30+$0xFFFFFF80] =	vst v1  }
0xfc: {  	v1 =	vld [tilespmem:s10+$0xFFFFFF90];
	_ =	sdelay $0x3  }
0xfd: {  	s1 =	simm.s32 $0x1CA20  }
0xfe: {  	v2 =	vld [tilespmem:s1+$0x0]  }
0xff: {  	v0 =	vld.idx.msk [tilespmem:v0+s14+$0x0], $0xffff;
	_ =	sdelay $0x1  }
0x100: {  	v1 =	vld.idx.msk [tilespmem:v1+s14+$0x0], $0xffff;
	_ =	sdelay $0x2  }
0x101: {  	[tilespmem:s30+$0x10] =	vst v0  }
0x102: {  	v0 =	vld [tilespmem:s10+$0x20]  }
0x103: {  	[tilespmem:s30+$0xFFFFFF90] =	vst v1;
	v1 =	vld.idx.msk [tilespmem:v2+s14+$0x0], $0xffff  }
0x104: {  	v3 =	vld [tilespmem:s1+$0xFFFFFF80];
	_ =	sdelay $0x1  }
0x105: {  	v2 =	vld [tilespmem:s10+$0xFFFFFFA0]  }
0x106: {  	s31 =	simm.s32 $0x1EA20  }
0x107: {  	[tilespmem:s31+$0x0] =	vst v1  }
0x108: {  	v1 =	vld [tilespmem:s1+$0x10]  }
0x109: {  	v0 =	vld.idx.msk [tilespmem:v0+s14+$0x0], $0xffff;
	_ =	sdelay $0x1  }
0x10a: {  	v3 =	vld.idx.msk [tilespmem:v3+s14+$0x0], $0xffff;
	_ =	sdelay $0x1  }
0x10b: {  	v2 =	vld.idx.msk [tilespmem:v2+s14+$0x0], $0xffff  }
0x10c: {  	[tilespmem:s30+$0x20] =	vst v0  }
0x10d: {  	v0 =	vld [tilespmem:s10+$0x30]  }
0x10e: {  	[tilespmem:s31+$0xFFFFFF80] =	vst v3;
	v1 =	vld.idx.msk [tilespmem:v1+s14+$0x0], $0xffff  }
0x10f: {  	v3 =	vld [tilespmem:s1+$0xFFFFFF90]  }
0x110: {  	[tilespmem:s30+$0xFFFFFFA0] =	vst v2  }
0x111: {  	v2 =	vld [tilespmem:s10+$0xFFFFFFB0];
	_ =	sdelay $0x1  }
0x112: {  	[tilespmem:s31+$0x10] =	vst v1  }
0x113: {  	v1 =	vld [tilespmem:s1+$0x20]  }
0x114: {  	s3 =	simm.s32 $0x1CB20;
	v0 =	vld.idx.msk [tilespmem:v0+s14+$0x0], $0xffff  }
0x115: {  	v4 =	vld [tilespmem:s3+$0x0]  }
0x116: {  	v3 =	vld.idx.msk [tilespmem:v3+s14+$0x0], $0xffff  }
0x117: {  	v5 =	vld [tilespmem:s3+$0xFFFFFF80]  }
0x118: {  	v2 =	vld.idx.msk [tilespmem:v2+s14+$0x0], $0xffff  }
0x119: {  	[tilespmem:s30+$0x30] =	vst v0  }
0x11a: {  	v0 =	vld [tilespmem:s10+$0x40]  }
0x11b: {  	[tilespmem:s31+$0xFFFFFF90] =	vst v3;
	v1 =	vld.idx.msk [tilespmem:v1+s14+$0x0], $0xffff  }
0x11c: {  	v3 =	vld [tilespmem:s1+$0xFFFFFFA0]  }
0x11d: {  	v4 =	vld.idx.msk [tilespmem:v4+s14+$0x0], $0xffff;
	[tilespmem:s30+$0xFFFFFFB0] =	vst v2  }
0x11e: {  	v2 =	vld [tilespmem:s10+$0xFFFFFFC0]  }
0x11f: {  	s4 =	simm.s32 $0x1CC20;
	v5 =	vld.idx.msk [tilespmem:v5+s14+$0x0], $0xffff  }
0x120: {  	v6 =	vld [tilespmem:s4+$0x0];
	[tilespmem:s31+$0x20] =	vst v1  }
0x121: {  	s16 =	simm.s32 $0x1EB20;
	v1 =	vld [tilespmem:s1+$0x30]  }
0x122: {  	[tilespmem:s16+$0x0] =	vst v4;
	v0 =	vld.idx.msk [tilespmem:v0+s14+$0x0], $0xffff  }
0x123: {  	v4 =	vld [tilespmem:s3+$0x10]  }
0x124: {  	[tilespmem:s16+$0xFFFFFF80] =	vst v5;
	v3 =	vld.idx.msk [tilespmem:v3+s14+$0x0], $0xffff  }
0x125: {  	v5 =	vld [tilespmem:s3+$0xFFFFFF90]  }
0x126: {  	v2 =	vld.idx.msk [tilespmem:v2+s14+$0x0], $0xffff  }
0x127: {  	v7 =	vld [tilespmem:s4+$0xFFFFFF80];
	[tilespmem:s30+$0x40] =	vst v0  }
0x128: {  	v0 =	vld [tilespmem:s10+$0x50]  }
0x129: {  	[tilespmem:s31+$0xFFFFFFA0] =	vst v3;
	v1 =	vld.idx.msk [tilespmem:v1+s14+$0x0], $0xffff  }
0x12a: {  	v3 =	vld [tilespmem:s1+$0xFFFFFFB0]  }
0x12b: {  	v4 =	vld.idx.msk [tilespmem:v4+s14+$0x0], $0xffff;
	[tilespmem:s30+$0xFFFFFFC0] =	vst v2  }
0x12c: {  	v2 =	vld [tilespmem:s10+$0xFFFFFFD0]  }
0x12d: {  	v5 =	vld.idx.msk [tilespmem:v5+s14+$0x0], $0xffff  }
0x12e: {  	v6 =	vld.idx.msk [tilespmem:v6+s14+$0x0], $0xffff;
	[tilespmem:s31+$0x30] =	vst v1  }
0x12f: {  	v1 =	vld [tilespmem:s1+$0x40]  }
0x130: {  	[tilespmem:s16+$0x10] =	vst v4;
	v0 =	vld.idx.msk [tilespmem:v0+s14+$0x0], $0xffff  }
0x131: {  	v4 =	vld [tilespmem:s3+$0x20]  }
0x132: {  	[tilespmem:s16+$0xFFFFFF90] =	vst v5;
	v3 =	vld.idx.msk [tilespmem:v3+s14+$0x0], $0xffff  }
0x133: {  	v5 =	vld [tilespmem:s3+$0xFFFFFFA0]  }
0x134: {  	v2 =	vld.idx.msk [tilespmem:v2+s14+$0x0], $0xffff  }
0x135: {  	v7 =	vld.idx.msk [tilespmem:v7+s14+$0x0], $0xffff;
	[tilespmem:s30+$0x50] =	vst v0  }
0x136: {  	v0 =	vld [tilespmem:s10+$0x60]  }
0x137: {  	s5 =	simm.s32 $0x1EC20;
	[tilespmem:s31+$0xFFFFFFB0] =	vst v3;
	v1 =	vld.idx.msk [tilespmem:v1+s14+$0x0], $0xffff  }
0x138: {  	[tilespmem:s5+$0x0] =	vst v6;
	v3 =	vld [tilespmem:s1+$0xFFFFFFC0]  }
0x139: {  	[tilespmem:s30+$0xFFFFFFD0] =	vst v2;
	v2 =	vld.idx.msk [tilespmem:v4+s14+$0x0], $0xffff  }
0x13a: {  	v6 =	vld [tilespmem:s4+$0x10]  }
0x13b: {  	v4 =	vld [tilespmem:s10+$0xFFFFFFE0]  }
0x13c: {  	v5 =	vld.idx.msk [tilespmem:v5+s14+$0x0], $0xffff;
	[tilespmem:s31+$0x40] =	vst v1  }
0x13d: {  	v1 =	vld [tilespmem:s1+$0x50]  }
0x13e: {  	[tilespmem:s16+$0x20] =	vst v2;
	v0 =	vld.idx.msk [tilespmem:v0+s14+$0x0], $0xffff  }
0x13f: {  	v2 =	vld [tilespmem:s3+$0x30]  }
0x140: {  	[tilespmem:s5+$0xFFFFFF80] =	vst v7;
	v3 =	vld.idx.msk [tilespmem:v3+s14+$0x0], $0xffff  }
0x141: {  	v8 =	vld [tilespmem:s4+$0xFFFFFF90];
	[tilespmem:s16+$0xFFFFFFA0] =	vst v5  }
0x142: {  	v9 =	vld [tilespmem:s3+$0xFFFFFFB0]  }
0x143: {  	v4 =	vld.idx.msk [tilespmem:v4+s14+$0x0], $0xffff;
	[tilespmem:s30+$0x60] =	vst v0  }
0x144: {  	v0 =	vld [tilespmem:s10+$0x70]  }
0x145: {  	[tilespmem:s31+$0xFFFFFFC0] =	vst v3;
	v1 =	vld.idx.msk [tilespmem:v1+s14+$0x0], $0xffff  }
0x146: {  	v10 =	vld [tilespmem:s1+$0xFFFFFFD0]  }
0x147: {  	v2 =	vld.idx.msk [tilespmem:v2+s14+$0x0], $0xffff  }
0x148: {  	[tilespmem:s30+$0xFFFFFFE0] =	vst v4;
	v4 =	vld.idx.msk [tilespmem:v6+s14+$0x0], $0xffff;
	_ =	sdelay $0x1  }
0x149: {  	v5 =	vld.idx.msk [tilespmem:v8+s14+$0x0], $0xffff;
	[tilespmem:s31+$0x50] =	vst v1  }
0x14a: {  	v1 =	vld [tilespmem:s1+$0x60]  }
0x14b: {  	[tilespmem:s16+$0x30] =	vst v2;
	v7 =	vld.idx.msk [tilespmem:v0+s14+$0x0], $0xffff  }
0x14c: {  	[tilespmem:s5+$0x10] =	vst v4;
	v4 =	vld.idx.msk [tilespmem:v9+s14+$0x0], $0xffff  }
0x14d: {  	v3 =	vld [tilespmem:s3+$0x40]  }
0x14e: {  	v2 =	vld.idx.msk [tilespmem:v10+s14+$0x0], $0xffff  }
0x14f: {  	v6 =	vld [tilespmem:s4+$0x20]  }
0x150: {  	s12 =	simm.s32 $0x1CD20;
	v0 =	vld [tilespmem:s10+$0xFFFFFFF0];
	s10 =	simm.s32 $0x6;
	[tilespmem:s30+$0x70] =	vst v7  }
.LBB2_5:
0x151: {  	v7 =	vld [tilespmem:s12+$0x0];
	s10 =	sadd.s32 $0x2, s10;
	s13 =	smov.u32 s16;
	s16 =	smov.u32 s5  }
0x152: {  	v8 =	vld [tilespmem:s12+$0xFFFFFF80];
	p2 =	slt.u32 s10, $0x1E;
	[tilespmem:s5+$0xFFFFFF90] =	vst v5  }
0x153: {  	v1 =	vld.idx.msk [tilespmem:v1+s14+$0x0], $0xffff  }
0x154: {  	v5 =	vld [tilespmem:s4+$0xFFFFFFA0];
	[tilespmem:s13+$0xFFFFFFB0] =	vst v4  }
0x155: {  	v3 =	vld.idx.msk [tilespmem:v3+s14+$0x0], $0xffff  }
0x156: {  	v4 =	vld [tilespmem:s3+$0xFFFFFFC0];
	[tilespmem:s31+$0xFFFFFFD0] =	vst v2  }
0x157: {  	v2 =	vld.idx.msk [tilespmem:v6+s14+$0x0], $0xffff  }
0x158: {  	v6 =	vld [tilespmem:s1+$0xFFFFFFE0]  }
0x159: {  	v7 =	vld.idx.msk [tilespmem:v7+s14+$0x0], $0xffff;
	[tilespmem:s31+$0x60] =	vst v1  }
0x15a: {  	v1 =	vld [tilespmem:s1+$0x70]  }
0x15b: {  	v8 =	vld.idx.msk [tilespmem:v8+s14+$0x0], $0xffff;
	[tilespmem:s13+$0x40] =	vst v3  }
0x15c: {  	v3 =	vld [tilespmem:s3+$0x50]  }
0x15d: {  	v5 =	vld.idx.msk [tilespmem:v5+s14+$0x0], $0xffff;
	[tilespmem:s5+$0x20] =	vst v2  }
0x15e: {  	s5 =	sadd.s32 $0x100, s5;
	v2 =	vld [tilespmem:s4+$0x30]  }
0x15f: {  	[tilespmem:s5+$0x0] =	vst v7;
	v4 =	vld.idx.msk [tilespmem:v4+s14+$0x0], $0xffff  }
0x160: {  	v7 =	vld [tilespmem:s12+$0x10]  }
0x161: {  	[tilespmem:s5+$0xFFFFFF80] =	vst v8;
	v6 =	vld.idx.msk [tilespmem:v6+s14+$0x0], $0xffff  }
0x162: {  	v1 =	vld.idx.msk [tilespmem:v1+s14+$0x0], $0xffff  }
0x163: {  	v8 =	vld [tilespmem:s12+$0xFFFFFF90];
	[tilespmem:s16+$0xFFFFFFA0] =	vst v5  }
0x164: {  	v3 =	vld.idx.msk [tilespmem:v3+s14+$0x0], $0xffff  }
0x165: {  	v9 =	vld [tilespmem:s4+$0xFFFFFFB0];
	[tilespmem:s13+$0xFFFFFFC0] =	vst v4  }
0x166: {  	v2 =	vld.idx.msk [tilespmem:v2+s14+$0x0], $0xffff  }
0x167: {  	v10 =	vld [tilespmem:s3+$0xFFFFFFD0];
	[tilespmem:s31+$0xFFFFFFE0] =	vst v6  }
0x168: {  	v4 =	vld.idx.msk [tilespmem:v7+s14+$0x0], $0xffff;
	[tilespmem:s31+$0x70] =	vst v1  }
0x169: {  	v6 =	vld [tilespmem:s1+$0xFFFFFFF0];
	s1 =	smov.u32 s3;
	s3 =	smov.u32 s4;
	s4 =	smov.u32 s12  }
0x16a: {  	[tilespmem:s13+$0x50] =	vst v3;
	v7 =	vld.idx.msk [tilespmem:v0+s14+$0x0], $0xffff  }
0x16b: {  	v1 =	vld [tilespmem:s1+$0x60]  }
.Ltmp3:
0x16c: {  	v5 =	vld.idx.msk [tilespmem:v8+s14+$0x0], $0xffff;
	[tilespmem:s16+$0x30] =	vst v2;
	(pc) =	sbr.rel @p2 .LBB2_5-.Ltmp3, $4  }
0x16d: {  	v3 =	vld [tilespmem:s3+$0x40]  }
0x16e: {  	[tilespmem:s5+$0x10] =	vst v4;
	v4 =	vld.idx.msk [tilespmem:v9+s14+$0x0], $0xffff;
	v0 =	vmov v6  }
0x16f: {  	v6 =	vld [tilespmem:s12+$0x20]  }
0x170: {  	s12 =	sadd.s32 $0x100, s12;
	v2 =	vld.idx.msk [tilespmem:v10+s14+$0x0], $0xffff;
	[tilespmem:s30+$0xFFFFFFF0] =	vst v7;
	s30 =	smov.u32 s31;
	s31 =	smov.u32 s13  }
0x171: {  	[tilespmem:s5+$0xFFFFFF90] =	vst v5  }
0x172: {  	v5 =	vld [tilespmem:s4+$0xFFFFFFA0];
	_ =	sdelay $0x6  }
0x173: {  	v6 =	vld.idx.msk [tilespmem:v6+s14+$0x0], $0xffff  }
0x174: {  	v5 =	vld.idx.msk [tilespmem:v5+s14+$0x0], $0xffff;
	_ =	sdelay $0x3  }
0x175: {  	[tilespmem:s5+$0x20] =	vst v6  }
0x176: {  	v6 =	vld [tilespmem:s4+$0x30];
	[tilespmem:s5+$0xFFFFFFA0] =	vst v5  }
0x177: {  	v5 =	vld [tilespmem:s4+$0xFFFFFFB0];
	_ =	sdelay $0x6  }
0x178: {  	v6 =	vld.idx.msk [tilespmem:v6+s14+$0x0], $0xffff  }
0x179: {  	v5 =	vld.idx.msk [tilespmem:v5+s14+$0x0], $0xffff;
	_ =	sdelay $0x2  }
0x17a: {  	[tilespmem:s16+$0xFFFFFFB0] =	vst v4  }
0x17b: {  	v59 =	vld [tilespmem:s3+$0xFFFFFFC0];
	[tilespmem:s5+$0x30] =	vst v6  }
0x17c: {  	v58 =	vld [tilespmem:s4+$0x40];
	[tilespmem:s5+$0xFFFFFFB0] =	vst v5  }
0x17d: {  	v5 =	vld [tilespmem:s4+$0xFFFFFFC0];
	_ =	sdelay $0x4  }
0x17e: {  	v3 =	vld.idx.msk [tilespmem:v3+s14+$0x0], $0xffff  }
0x17f: {  	v6 =	vld.idx.msk [tilespmem:v59+s14+$0x0], $0xffff  }
0x180: {  	v4 =	vld.idx.msk [tilespmem:v58+s14+$0x0], $0xffff  }
0x181: {  	v5 =	vld.idx.msk [tilespmem:v5+s14+$0x0], $0xffff;
	_ =	sdelay $0x1  }
0x182: {  	[tilespmem:s16+$0x40] =	vst v3  }
0x183: {  	v3 =	vld [tilespmem:s3+$0x50];
	[tilespmem:s16+$0xFFFFFFC0] =	vst v6  }
0x184: {  	v6 =	vld [tilespmem:s3+$0xFFFFFFD0];
	[tilespmem:s5+$0x40] =	vst v4  }
0x185: {  	v4 =	vld [tilespmem:s4+$0x50];
	[tilespmem:s5+$0xFFFFFFC0] =	vst v5  }
0x186: {  	v5 =	vld [tilespmem:s4+$0xFFFFFFD0];
	_ =	sdelay $0x4  }
0x187: {  	v3 =	vld.idx.msk [tilespmem:v3+s14+$0x0], $0xffff  }
0x188: {  	v6 =	vld.idx.msk [tilespmem:v6+s14+$0x0], $0xffff  }
0x189: {  	v4 =	vld.idx.msk [tilespmem:v4+s14+$0x0], $0xffff  }
0x18a: {  	v5 =	vld.idx.msk [tilespmem:v5+s14+$0x0], $0xffff  }
0x18b: {  	[tilespmem:s31+$0xFFFFFFD0] =	vst v2  }
0x18c: {  	v61 =	vld [tilespmem:s1+$0xFFFFFFE0];
	[tilespmem:s16+$0x50] =	vst v3  }
0x18d: {  	v60 =	vld [tilespmem:s3+$0x60];
	[tilespmem:s16+$0xFFFFFFD0] =	vst v6  }
0x18e: {  	v6 =	vld [tilespmem:s3+$0xFFFFFFE0];
	[tilespmem:s5+$0x50] =	vst v4  }
0x18f: {  	v4 =	vld [tilespmem:s4+$0x60];
	[tilespmem:s5+$0xFFFFFFD0] =	vst v5  }
0x190: {  	v5 =	vld [tilespmem:s4+$0xFFFFFFE0];
	_ =	sdelay $0x2  }
0x191: {  	v1 =	vld.idx.msk [tilespmem:v1+s14+$0x0], $0xffff  }
0x192: {  	v3 =	vld.idx.msk [tilespmem:v61+s14+$0x0], $0xffff  }
0x193: {  	v2 =	vld.idx.msk [tilespmem:v60+s14+$0x0], $0xffff  }
0x194: {  	v6 =	vld.idx.msk [tilespmem:v6+s14+$0x0], $0xffff  }
0x195: {  	v4 =	vld.idx.msk [tilespmem:v4+s14+$0x0], $0xffff  }
0x196: {  	[tilespmem:s31+$0x60] =	vst v1;
	v5 =	vld.idx.msk [tilespmem:v5+s14+$0x0], $0xffff  }
0x197: {  	v1 =	vld [tilespmem:s1+$0x70];
	[tilespmem:s31+$0xFFFFFFE0] =	vst v3  }
0x198: {  	v3 =	vld [tilespmem:s1+$0xFFFFFFF0];
	[tilespmem:s16+$0x60] =	vst v2  }
0x199: {  	v2 =	vld [tilespmem:s3+$0x70];
	[tilespmem:s16+$0xFFFFFFE0] =	vst v6  }
0x19a: {  	v6 =	vld [tilespmem:s3+$0xFFFFFFF0];
	[tilespmem:s5+$0x60] =	vst v4  }
0x19b: {  	v4 =	vld [tilespmem:s4+$0x70];
	[tilespmem:s5+$0xFFFFFFE0] =	vst v5  }
0x19c: {  	v5 =	vld [tilespmem:s4+$0xFFFFFFF0];
	_ =	sdelay $0x1  }
0x19d: {  	v0 =	vld.idx.msk [tilespmem:v0+s14+$0x0], $0xffff  }
0x19e: {  	v1 =	vld.idx.msk [tilespmem:v1+s14+$0x0], $0xffff  }
0x19f: {  	v3 =	vld.idx.msk [tilespmem:v3+s14+$0x0], $0xffff  }
0x1a0: {  	v2 =	vld.idx.msk [tilespmem:v2+s14+$0x0], $0xffff  }
0x1a1: {  	v62 =	vld.idx.msk [tilespmem:v6+s14+$0x0], $0xffff  }
0x1a2: {  	[tilespmem:s30+$0xFFFFFFF0] =	vst v0;
	v4 =	vld.idx.msk [tilespmem:v4+s14+$0x0], $0xffff  }
0x1a3: {  	[tilespmem:s31+$0x70] =	vst v1;
	v63 =	vld.idx.msk [tilespmem:v5+s14+$0x0], $0xffff  }
0x1a4: {  	[tilespmem:s31+$0xFFFFFFF0] =	vst v3  }
.Ltmp4:
0x1a5: {  	[tilespmem:s16+$0x70] =	vst v2;
	(pc) =	sbr.rel @p1 .LBB2_8-.Ltmp4, $4  }
0x1a6: {  	[tilespmem:s16+$0xFFFFFFF0] =	vst v62  }
0x1a7: {  	[tilespmem:s5+$0x70] =	vst v4  }
0x1a8: {  	s31 =	sadd.s32 s29, s9;
	[tilespmem:s5+$0xFFFFFFF0] =	vst v63  }
0x1a9: {  	[hbm4b:s31+s19] =	stream.strided.scatter [tilespmem:s23], [sflag:$0x4], $0x1000, s20, s19, $0x38;
	[tilespmem:$0x1F8A0] =	vst v63  }
.Ltmp5:
0x1aa: {  	s1 =	sshll.u32 s28, $0xD;
	(pc) =	sbr.rel .LBB2_2-.Ltmp5, $4  }
0x1ab: {  	s1 =	sand.u32 $0x3FFFE000, s1  }
0x1ac: {  	s1 =	sadd.s32 s1, s2  }
0x1ad: {  	s28 =	sadd.s32 $0x1, s28;
	s1 =	sadd.s32 $0x3000, s1  }
0x1ae: {  	[tilespmem:s17], [sflag:$0x2] =	stream.linear.gather [spmem:s1], $0x1000, $0x38;
	[tilespmem:$0x1F8A0] =	vst v63  }
.LBB2_8:
0x1af: {  	_ =	swait.ge [sflag:s24], $0x1000  }
0x1b0: {  	[sflag:s24] =	ssyncset.done $0x0  }
0x1b1: {  	[sflag:s24] =	ssyncadd.s32 $0xFFFFF000  }
0x1b2: {  	_ =	swait.ge [sflag:s25], $0x1000  }
0x1b3: {  	[sflag:s25] =	ssyncset.done $0x0  }
0x1b4: {  	s28 =	simm.s32 $0x0;
	s1 =	rddreg [dreg:$0x6];
	[sflag:s25] =	ssyncadd.s32 $0xFFFFF000  }
0x1b5: {  	[tilespmem:s14], [sflag:$0x5] =	stream.linear.gather [hbm4b:s1+s28], $0x186A0, $0x38;
	[tilespmem:$0x1F8A0] =	vst v63  }
0x1b6: {  	_ =	swait.ge [sflag:s15], $0x186A0  }
0x1b7: {  	[sflag:s15] =	ssyncset.done $0x0  }
0x1b8: {  	s31 =	simm.s32 $0x1B8A0;
	[sflag:s15] =	ssyncadd.s32 $0xFFFE7960  }
0x1b9: {  	[tilespmem:s31], [sflag:$0x1] =	stream.linear.gather [spmem:s2], $0x1000, $0x38;
	[tilespmem:$0x1F8A0] =	vst v63  }
0x1ba: {  	_ = 	snop  }
0x1bb: {  	[tilespmem:s17], [sflag:$0x2] =	stream.linear.gather [spmem:s6], $0x1000, $0x38;
	[tilespmem:$0x1F8A0] =	vst v63  }
.LBB2_9:
0x1bc: {  	p1 =	seq.s32 s28, $0x0  }
0x1bd: {  	s1 =	simm.s32 @!p1 $0x3  }
0x1be: {  	_ =	swait.ge @!p1 [sflag:s1], $0x1000  }
0x1bf: {  	[sflag:s1] =	ssyncset.done @!p1 $0x0  }
0x1c0: {  	[sflag:s1] =	ssyncadd.s32 @!p1 $0xFFFFF000  }
0x1c1: {  	_ =	swait.ge [sflag:s18], $0x1000  }
0x1c2: {  	[sflag:s18] =	ssyncset.done $0x0  }
0x1c3: {  	s5 =	simm.s32 $0x1B920;
	[sflag:s18] =	ssyncadd.s32 $0xFFFFF000  }
0x1c4: {  	v0 =	vld [tilespmem:s5+$0x0];
	_ =	sdelay $0x1  }
0x1c5: {  	v1 =	vld [tilespmem:s5+$0xFFFFFF80];
	_ =	sdelay $0x5  }
0x1c6: {  	v0 =	vld.idx.msk [tilespmem:v0+s14+$0x0], $0xffff;
	_ =	sdelay $0x1  }
0x1c7: {  	v1 =	vld.idx.msk [tilespmem:v1+s14+$0x0], $0xffff;
	_ =	sdelay $0x1  }
0x1c8: {  	s29 =	simm.s32 $0x1D920  }
0x1c9: {  	[tilespmem:s29+$0x0] =	vst v0  }
0x1ca: {  	v0 =	vld [tilespmem:s5+$0x10]  }
0x1cb: {  	[tilespmem:s29+$0xFFFFFF80] =	vst v1  }
0x1cc: {  	v1 =	vld [tilespmem:s5+$0xFFFFFF90];
	_ =	sdelay $0x3  }
0x1cd: {  	s1 =	simm.s32 $0x1BA20  }
0x1ce: {  	v2 =	vld [tilespmem:s1+$0x0]  }
0x1cf: {  	v0 =	vld.idx.msk [tilespmem:v0+s14+$0x0], $0xffff;
	_ =	sdelay $0x1  }
0x1d0: {  	v1 =	vld.idx.msk [tilespmem:v1+s14+$0x0], $0xffff;
	_ =	sdelay $0x2  }
0x1d1: {  	[tilespmem:s29+$0x10] =	vst v0  }
0x1d2: {  	v0 =	vld [tilespmem:s5+$0x20]  }
0x1d3: {  	[tilespmem:s29+$0xFFFFFF90] =	vst v1;
	v1 =	vld.idx.msk [tilespmem:v2+s14+$0x0], $0xffff  }
0x1d4: {  	v3 =	vld [tilespmem:s1+$0xFFFFFF80];
	_ =	sdelay $0x1  }
0x1d5: {  	v2 =	vld [tilespmem:s5+$0xFFFFFFA0]  }
0x1d6: {  	s30 =	simm.s32 $0x1DA20  }
0x1d7: {  	[tilespmem:s30+$0x0] =	vst v1  }
0x1d8: {  	v1 =	vld [tilespmem:s1+$0x10]  }
0x1d9: {  	v0 =	vld.idx.msk [tilespmem:v0+s14+$0x0], $0xffff;
	_ =	sdelay $0x1  }
0x1da: {  	v3 =	vld.idx.msk [tilespmem:v3+s14+$0x0], $0xffff;
	_ =	sdelay $0x1  }
0x1db: {  	v2 =	vld.idx.msk [tilespmem:v2+s14+$0x0], $0xffff  }
0x1dc: {  	[tilespmem:s29+$0x20] =	vst v0  }
0x1dd: {  	v0 =	vld [tilespmem:s5+$0x30]  }
0x1de: {  	[tilespmem:s30+$0xFFFFFF80] =	vst v3;
	v1 =	vld.idx.msk [tilespmem:v1+s14+$0x0], $0xffff  }
0x1df: {  	v3 =	vld [tilespmem:s1+$0xFFFFFF90]  }
0x1e0: {  	[tilespmem:s29+$0xFFFFFFA0] =	vst v2  }
0x1e1: {  	v2 =	vld [tilespmem:s5+$0xFFFFFFB0];
	_ =	sdelay $0x1  }
0x1e2: {  	[tilespmem:s30+$0x10] =	vst v1  }
0x1e3: {  	v1 =	vld [tilespmem:s1+$0x20]  }
0x1e4: {  	s3 =	simm.s32 $0x1BB20;
	v0 =	vld.idx.msk [tilespmem:v0+s14+$0x0], $0xffff  }
0x1e5: {  	v4 =	vld [tilespmem:s3+$0x0]  }
0x1e6: {  	v3 =	vld.idx.msk [tilespmem:v3+s14+$0x0], $0xffff  }
0x1e7: {  	v5 =	vld [tilespmem:s3+$0xFFFFFF80]  }
0x1e8: {  	v2 =	vld.idx.msk [tilespmem:v2+s14+$0x0], $0xffff  }
0x1e9: {  	[tilespmem:s29+$0x30] =	vst v0  }
0x1ea: {  	v0 =	vld [tilespmem:s5+$0x40]  }
0x1eb: {  	[tilespmem:s30+$0xFFFFFF90] =	vst v3;
	v1 =	vld.idx.msk [tilespmem:v1+s14+$0x0], $0xffff  }
0x1ec: {  	v3 =	vld [tilespmem:s1+$0xFFFFFFA0]  }
0x1ed: {  	v4 =	vld.idx.msk [tilespmem:v4+s14+$0x0], $0xffff;
	[tilespmem:s29+$0xFFFFFFB0] =	vst v2  }
0x1ee: {  	v2 =	vld [tilespmem:s5+$0xFFFFFFC0]  }
0x1ef: {  	s4 =	simm.s32 $0x1BC20;
	v5 =	vld.idx.msk [tilespmem:v5+s14+$0x0], $0xffff  }
0x1f0: {  	v6 =	vld [tilespmem:s4+$0x0];
	[tilespmem:s30+$0x20] =	vst v1  }
0x1f1: {  	s31 =	simm.s32 $0x1DB20;
	v1 =	vld [tilespmem:s1+$0x30]  }
0x1f2: {  	[tilespmem:s31+$0x0] =	vst v4;
	v0 =	vld.idx.msk [tilespmem:v0+s14+$0x0], $0xffff  }
0x1f3: {  	v4 =	vld [tilespmem:s3+$0x10]  }
0x1f4: {  	[tilespmem:s31+$0xFFFFFF80] =	vst v5;
	v3 =	vld.idx.msk [tilespmem:v3+s14+$0x0], $0xffff  }
0x1f5: {  	v5 =	vld [tilespmem:s3+$0xFFFFFF90]  }
0x1f6: {  	v2 =	vld.idx.msk [tilespmem:v2+s14+$0x0], $0xffff  }
0x1f7: {  	v7 =	vld [tilespmem:s4+$0xFFFFFF80];
	[tilespmem:s29+$0x40] =	vst v0  }
0x1f8: {  	v0 =	vld [tilespmem:s5+$0x50]  }
0x1f9: {  	[tilespmem:s30+$0xFFFFFFA0] =	vst v3;
	v1 =	vld.idx.msk [tilespmem:v1+s14+$0x0], $0xffff  }
0x1fa: {  	v3 =	vld [tilespmem:s1+$0xFFFFFFB0]  }
0x1fb: {  	v4 =	vld.idx.msk [tilespmem:v4+s14+$0x0], $0xffff;
	[tilespmem:s29+$0xFFFFFFC0] =	vst v2  }
0x1fc: {  	v2 =	vld [tilespmem:s5+$0xFFFFFFD0]  }
0x1fd: {  	v5 =	vld.idx.msk [tilespmem:v5+s14+$0x0], $0xffff  }
0x1fe: {  	v6 =	vld.idx.msk [tilespmem:v6+s14+$0x0], $0xffff;
	[tilespmem:s30+$0x30] =	vst v1  }
0x1ff: {  	v1 =	vld [tilespmem:s1+$0x40]  }
0x200: {  	[tilespmem:s31+$0x10] =	vst v4;
	v0 =	vld.idx.msk [tilespmem:v0+s14+$0x0], $0xffff  }
0x201: {  	v4 =	vld [tilespmem:s3+$0x20]  }
0x202: {  	[tilespmem:s31+$0xFFFFFF90] =	vst v5;
	v3 =	vld.idx.msk [tilespmem:v3+s14+$0x0], $0xffff  }
0x203: {  	v5 =	vld [tilespmem:s3+$0xFFFFFFA0]  }
0x204: {  	v2 =	vld.idx.msk [tilespmem:v2+s14+$0x0], $0xffff  }
0x205: {  	v7 =	vld.idx.msk [tilespmem:v7+s14+$0x0], $0xffff;
	[tilespmem:s29+$0x50] =	vst v0  }
0x206: {  	v0 =	vld [tilespmem:s5+$0x60]  }
0x207: {  	s16 =	simm.s32 $0x1DC20;
	[tilespmem:s30+$0xFFFFFFB0] =	vst v3;
	v1 =	vld.idx.msk [tilespmem:v1+s14+$0x0], $0xffff  }
0x208: {  	[tilespmem:s16+$0x0] =	vst v6;
	v3 =	vld [tilespmem:s1+$0xFFFFFFC0]  }
0x209: {  	[tilespmem:s29+$0xFFFFFFD0] =	vst v2;
	v2 =	vld.idx.msk [tilespmem:v4+s14+$0x0], $0xffff  }
0x20a: {  	v6 =	vld [tilespmem:s4+$0x10]  }
0x20b: {  	v4 =	vld [tilespmem:s5+$0xFFFFFFE0]  }
0x20c: {  	v5 =	vld.idx.msk [tilespmem:v5+s14+$0x0], $0xffff;
	[tilespmem:s30+$0x40] =	vst v1  }
0x20d: {  	v1 =	vld [tilespmem:s1+$0x50]  }
0x20e: {  	[tilespmem:s31+$0x20] =	vst v2;
	v0 =	vld.idx.msk [tilespmem:v0+s14+$0x0], $0xffff  }
0x20f: {  	v2 =	vld [tilespmem:s3+$0x30]  }
0x210: {  	[tilespmem:s16+$0xFFFFFF80] =	vst v7;
	v3 =	vld.idx.msk [tilespmem:v3+s14+$0x0], $0xffff  }
0x211: {  	v8 =	vld [tilespmem:s4+$0xFFFFFF90];
	[tilespmem:s31+$0xFFFFFFA0] =	vst v5  }
0x212: {  	v9 =	vld [tilespmem:s3+$0xFFFFFFB0]  }
0x213: {  	v4 =	vld.idx.msk [tilespmem:v4+s14+$0x0], $0xffff;
	[tilespmem:s29+$0x60] =	vst v0  }
0x214: {  	v0 =	vld [tilespmem:s5+$0x70]  }
0x215: {  	[tilespmem:s30+$0xFFFFFFC0] =	vst v3;
	v1 =	vld.idx.msk [tilespmem:v1+s14+$0x0], $0xffff  }
0x216: {  	v10 =	vld [tilespmem:s1+$0xFFFFFFD0]  }
0x217: {  	v2 =	vld.idx.msk [tilespmem:v2+s14+$0x0], $0xffff  }
0x218: {  	[tilespmem:s29+$0xFFFFFFE0] =	vst v4;
	v4 =	vld.idx.msk [tilespmem:v6+s14+$0x0], $0xffff;
	_ =	sdelay $0x1  }
0x219: {  	v5 =	vld.idx.msk [tilespmem:v8+s14+$0x0], $0xffff;
	[tilespmem:s30+$0x50] =	vst v1  }
0x21a: {  	v1 =	vld [tilespmem:s1+$0x60]  }
0x21b: {  	[tilespmem:s31+$0x30] =	vst v2;
	v7 =	vld.idx.msk [tilespmem:v0+s14+$0x0], $0xffff  }
0x21c: {  	[tilespmem:s16+$0x10] =	vst v4;
	v4 =	vld.idx.msk [tilespmem:v9+s14+$0x0], $0xffff  }
0x21d: {  	v3 =	vld [tilespmem:s3+$0x40]  }
0x21e: {  	v2 =	vld.idx.msk [tilespmem:v10+s14+$0x0], $0xffff  }
0x21f: {  	v6 =	vld [tilespmem:s4+$0x20]  }
0x220: {  	s10 =	simm.s32 $0x1BD20;
	v0 =	vld [tilespmem:s5+$0xFFFFFFF0];
	s5 =	simm.s32 $0x6;
	[tilespmem:s29+$0x70] =	vst v7  }
.LBB2_10:
0x221: {  	v7 =	vld [tilespmem:s10+$0x0];
	s5 =	sadd.s32 $0x2, s5;
	s12 =	smov.u32 s31;
	s31 =	smov.u32 s16  }
0x222: {  	v8 =	vld [tilespmem:s10+$0xFFFFFF80];
	p1 =	slt.u32 s5, $0x1E;
	[tilespmem:s16+$0xFFFFFF90] =	vst v5  }
0x223: {  	v1 =	vld.idx.msk [tilespmem:v1+s14+$0x0], $0xffff  }
0x224: {  	v5 =	vld [tilespmem:s4+$0xFFFFFFA0];
	[tilespmem:s12+$0xFFFFFFB0] =	vst v4  }
0x225: {  	v3 =	vld.idx.msk [tilespmem:v3+s14+$0x0], $0xffff  }
0x226: {  	v4 =	vld [tilespmem:s3+$0xFFFFFFC0];
	[tilespmem:s30+$0xFFFFFFD0] =	vst v2  }
0x227: {  	v2 =	vld.idx.msk [tilespmem:v6+s14+$0x0], $0xffff  }
0x228: {  	v6 =	vld [tilespmem:s1+$0xFFFFFFE0]  }
0x229: {  	v7 =	vld.idx.msk [tilespmem:v7+s14+$0x0], $0xffff;
	[tilespmem:s30+$0x60] =	vst v1  }
0x22a: {  	v1 =	vld [tilespmem:s1+$0x70]  }
0x22b: {  	v8 =	vld.idx.msk [tilespmem:v8+s14+$0x0], $0xffff;
	[tilespmem:s12+$0x40] =	vst v3  }
0x22c: {  	v3 =	vld [tilespmem:s3+$0x50]  }
0x22d: {  	v5 =	vld.idx.msk [tilespmem:v5+s14+$0x0], $0xffff;
	[tilespmem:s16+$0x20] =	vst v2  }
0x22e: {  	s16 =	sadd.s32 $0x100, s16;
	v2 =	vld [tilespmem:s4+$0x30]  }
0x22f: {  	[tilespmem:s16+$0x0] =	vst v7;
	v4 =	vld.idx.msk [tilespmem:v4+s14+$0x0], $0xffff  }
0x230: {  	v7 =	vld [tilespmem:s10+$0x10]  }
0x231: {  	[tilespmem:s16+$0xFFFFFF80] =	vst v8;
	v6 =	vld.idx.msk [tilespmem:v6+s14+$0x0], $0xffff  }
0x232: {  	v1 =	vld.idx.msk [tilespmem:v1+s14+$0x0], $0xffff  }
0x233: {  	v8 =	vld [tilespmem:s10+$0xFFFFFF90];
	[tilespmem:s31+$0xFFFFFFA0] =	vst v5  }
0x234: {  	v3 =	vld.idx.msk [tilespmem:v3+s14+$0x0], $0xffff  }
0x235: {  	v9 =	vld [tilespmem:s4+$0xFFFFFFB0];
	[tilespmem:s12+$0xFFFFFFC0] =	vst v4  }
0x236: {  	v2 =	vld.idx.msk [tilespmem:v2+s14+$0x0], $0xffff  }
0x237: {  	v10 =	vld [tilespmem:s3+$0xFFFFFFD0];
	[tilespmem:s30+$0xFFFFFFE0] =	vst v6  }
0x238: {  	v4 =	vld.idx.msk [tilespmem:v7+s14+$0x0], $0xffff;
	[tilespmem:s30+$0x70] =	vst v1  }
0x239: {  	v6 =	vld [tilespmem:s1+$0xFFFFFFF0];
	s1 =	smov.u32 s3;
	s3 =	smov.u32 s4;
	s4 =	smov.u32 s10  }
0x23a: {  	[tilespmem:s12+$0x50] =	vst v3;
	v7 =	vld.idx.msk [tilespmem:v0+s14+$0x0], $0xffff  }
0x23b: {  	v1 =	vld [tilespmem:s1+$0x60]  }
.Ltmp6:
0x23c: {  	v5 =	vld.idx.msk [tilespmem:v8+s14+$0x0], $0xffff;
	[tilespmem:s31+$0x30] =	vst v2;
	(pc) =	sbr.rel @p1 .LBB2_10-.Ltmp6, $4  }
0x23d: {  	v3 =	vld [tilespmem:s3+$0x40]  }
0x23e: {  	[tilespmem:s16+$0x10] =	vst v4;
	v4 =	vld.idx.msk [tilespmem:v9+s14+$0x0], $0xffff;
	v0 =	vmov v6  }
0x23f: {  	v6 =	vld [tilespmem:s10+$0x20]  }
0x240: {  	s10 =	sadd.s32 $0x100, s10;
	v2 =	vld.idx.msk [tilespmem:v10+s14+$0x0], $0xffff;
	[tilespmem:s29+$0xFFFFFFF0] =	vst v7;
	s29 =	smov.u32 s30;
	s30 =	smov.u32 s12  }
0x241: {  	[tilespmem:s16+$0xFFFFFF90] =	vst v5  }
0x242: {  	v5 =	vld [tilespmem:s4+$0xFFFFFFA0];
	_ =	sdelay $0x6  }
0x243: {  	v6 =	vld.idx.msk [tilespmem:v6+s14+$0x0], $0xffff  }
0x244: {  	v5 =	vld.idx.msk [tilespmem:v5+s14+$0x0], $0xffff;
	_ =	sdelay $0x3  }
0x245: {  	[tilespmem:s16+$0x20] =	vst v6  }
0x246: {  	v6 =	vld [tilespmem:s4+$0x30];
	[tilespmem:s16+$0xFFFFFFA0] =	vst v5  }
0x247: {  	v5 =	vld [tilespmem:s4+$0xFFFFFFB0];
	_ =	sdelay $0x6  }
0x248: {  	v6 =	vld.idx.msk [tilespmem:v6+s14+$0x0], $0xffff  }
0x249: {  	v5 =	vld.idx.msk [tilespmem:v5+s14+$0x0], $0xffff;
	_ =	sdelay $0x2  }
0x24a: {  	[tilespmem:s31+$0xFFFFFFB0] =	vst v4  }
0x24b: {  	[tilespmem:s16+$0x30] =	vst v6;
	v6 =	vld [tilespmem:s3+$0xFFFFFFC0]  }
0x24c: {  	v4 =	vld [tilespmem:s4+$0x40];
	[tilespmem:s16+$0xFFFFFFB0] =	vst v5  }
0x24d: {  	v5 =	vld [tilespmem:s4+$0xFFFFFFC0];
	_ =	sdelay $0x4  }
0x24e: {  	v3 =	vld.idx.msk [tilespmem:v3+s14+$0x0], $0xffff  }
0x24f: {  	v6 =	vld.idx.msk [tilespmem:v6+s14+$0x0], $0xffff  }
0x250: {  	v4 =	vld.idx.msk [tilespmem:v4+s14+$0x0], $0xffff  }
0x251: {  	v5 =	vld.idx.msk [tilespmem:v5+s14+$0x0], $0xffff;
	_ =	sdelay $0x1  }
0x252: {  	[tilespmem:s31+$0x40] =	vst v3  }
0x253: {  	v3 =	vld [tilespmem:s3+$0x50];
	[tilespmem:s31+$0xFFFFFFC0] =	vst v6  }
0x254: {  	[tilespmem:s16+$0x40] =	vst v4;
	v6 =	vld [tilespmem:s3+$0xFFFFFFD0]  }
0x255: {  	v4 =	vld [tilespmem:s4+$0x50];
	[tilespmem:s16+$0xFFFFFFC0] =	vst v5  }
0x256: {  	v5 =	vld [tilespmem:s4+$0xFFFFFFD0];
	_ =	sdelay $0x4  }
0x257: {  	v3 =	vld.idx.msk [tilespmem:v3+s14+$0x0], $0xffff  }
0x258: {  	v6 =	vld.idx.msk [tilespmem:v6+s14+$0x0], $0xffff  }
0x259: {  	v4 =	vld.idx.msk [tilespmem:v4+s14+$0x0], $0xffff  }
0x25a: {  	v5 =	vld.idx.msk [tilespmem:v5+s14+$0x0], $0xffff  }
0x25b: {  	v1 =	vld.idx.msk [tilespmem:v1+s14+$0x0], $0xffff;
	[tilespmem:s30+$0xFFFFFFD0] =	vst v2  }
0x25c: {  	[tilespmem:s31+$0x50] =	vst v3;
	v3 =	vld [tilespmem:s1+$0xFFFFFFE0]  }
0x25d: {  	v2 =	vld [tilespmem:s3+$0x60];
	[tilespmem:s31+$0xFFFFFFD0] =	vst v6  }
0x25e: {  	[tilespmem:s16+$0x50] =	vst v4;
	v6 =	vld [tilespmem:s3+$0xFFFFFFE0]  }
0x25f: {  	v4 =	vld [tilespmem:s4+$0x60];
	[tilespmem:s16+$0xFFFFFFD0] =	vst v5  }
0x260: {  	v5 =	vld [tilespmem:s4+$0xFFFFFFE0];
	_ =	sdelay $0x1  }
0x261: {  	[tilespmem:s30+$0x60] =	vst v1  }
0x262: {  	v1 =	vld [tilespmem:s1+$0x70]  }
0x263: {  	v3 =	vld.idx.msk [tilespmem:v3+s14+$0x0], $0xffff  }
0x264: {  	v2 =	vld.idx.msk [tilespmem:v2+s14+$0x0], $0xffff  }
0x265: {  	v6 =	vld.idx.msk [tilespmem:v6+s14+$0x0], $0xffff  }
0x266: {  	v4 =	vld.idx.msk [tilespmem:v4+s14+$0x0], $0xffff  }
0x267: {  	v5 =	vld.idx.msk [tilespmem:v5+s14+$0x0], $0xffff  }
0x268: {  	[tilespmem:s30+$0xFFFFFFE0] =	vst v3  }
0x269: {  	[tilespmem:s31+$0x60] =	vst v2;
	v3 =	vld [tilespmem:s1+$0xFFFFFFF0]  }
0x26a: {  	v2 =	vld [tilespmem:s3+$0x70];
	[tilespmem:s31+$0xFFFFFFE0] =	vst v6  }
0x26b: {  	[tilespmem:s16+$0x60] =	vst v4;
	v6 =	vld [tilespmem:s3+$0xFFFFFFF0]  }
0x26c: {  	v4 =	vld [tilespmem:s4+$0x70];
	[tilespmem:s16+$0xFFFFFFE0] =	vst v5  }
0x26d: {  	v5 =	vld [tilespmem:s4+$0xFFFFFFF0]  }
0x26e: {  	v1 =	vld.idx.msk [tilespmem:v1+s14+$0x0], $0xffff;
	_ =	sdelay $0x1  }
0x26f: {  	v0 =	vld.idx.msk [tilespmem:v0+s14+$0x0], $0xffff  }
0x270: {  	v3 =	vld.idx.msk [tilespmem:v3+s14+$0x0], $0xffff  }
0x271: {  	v2 =	vld.idx.msk [tilespmem:v2+s14+$0x0], $0xffff  }
0x272: {  	[tilespmem:s30+$0x70] =	vst v1;
	v1 =	vld.idx.msk [tilespmem:v6+s14+$0x0], $0xffff  }
0x273: {  	v4 =	vld.idx.msk [tilespmem:v4+s14+$0x0], $0xffff  }
0x274: {  	[tilespmem:s29+$0xFFFFFFF0] =	vst v0;
	v0 =	vld.idx.msk [tilespmem:v5+s14+$0x0], $0xffff  }
0x275: {  	[tilespmem:s30+$0xFFFFFFF0] =	vst v3  }
0x276: {  	s13 =	sshll.u32 s28, $0x10;
	[tilespmem:s31+$0x70] =	vst v2  }
0x277: {  	s1 =	sor.u32 s13, s11;
	[tilespmem:s31+$0xFFFFFFF0] =	vst v1  }
0x278: {  	s29 =	sor.u32 s7, s1;
	[tilespmem:s16+$0x70] =	vst v4  }
0x279: {  	p1 =	seq.s32 s28, $0x18;
	s1 =	sadd.s32 s0, s29;
	[tilespmem:s16+$0xFFFFFFF0] =	vst v0  }
0x27a: {  	[hbm4b:s1+s19] =	stream.strided.scatter [tilespmem:s21], [sflag:$0x3], $0x1000, s20, s19, $0x38;
	[tilespmem:$0x1F8A0] =	vst v63  }
0x27b: {  	s1 =	sshll.u32 @!p1 s28, $0xD  }
0x27c: {  	s1 =	sand.u32 @!p1 $0x3FFFE000, s1  }
0x27d: {  	p2 =	seq.s32 @!p1 s28, $0x0;
	s1 =	sadd.s32 @!p1 s1, s2  }
0x27e: {  	p2 =	por p1, !p2;
	s3 =	simm.s32 @!p1 $0x1B8A0;
	s1 =	sadd.s32 @!p1 $0x2000, s1  }
0x27f: {  	[tilespmem:s3], [sflag:$0x1] =	stream.linear.gather @!p1 [spmem:s1], $0x1000, $0x38;
	[tilespmem:$0x1F8A0] =	vst v63  }
0x280: {  	_ =	swait.ge @p2 [sflag:s25], $0x1000  }
0x281: {  	[sflag:s25] =	ssyncset.done @p2 $0x0  }
0x282: {  	[sflag:s25] =	ssyncadd.s32 @p2 $0xFFFFF000  }
0x283: {  	_ =	swait.ge [sflag:s22], $0x1000  }
0x284: {  	[sflag:s22] =	ssyncset.done $0x0  }
0x285: {  	s10 =	simm.s32 $0x1C920;
	[sflag:s22] =	ssyncadd.s32 $0xFFFFF000  }
0x286: {  	v0 =	vld [tilespmem:s10+$0x0];
	_ =	sdelay $0x1  }
0x287: {  	v1 =	vld [tilespmem:s10+$0xFFFFFF80];
	_ =	sdelay $0x5  }
0x288: {  	v0 =	vld.idx.msk [tilespmem:v0+s14+$0x0], $0xffff;
	_ =	sdelay $0x1  }
0x289: {  	v1 =	vld.idx.msk [tilespmem:v1+s14+$0x0], $0xffff;
	_ =	sdelay $0x1  }
0x28a: {  	s30 =	simm.s32 $0x1E920  }
0x28b: {  	[tilespmem:s30+$0x0] =	vst v0  }
0x28c: {  	v0 =	vld [tilespmem:s10+$0x10]  }
0x28d: {  	[tilespmem:s30+$0xFFFFFF80] =	vst v1  }
0x28e: {  	v1 =	vld [tilespmem:s10+$0xFFFFFF90];
	_ =	sdelay $0x3  }
0x28f: {  	s1 =	simm.s32 $0x1CA20  }
0x290: {  	v2 =	vld [tilespmem:s1+$0x0]  }
0x291: {  	v0 =	vld.idx.msk [tilespmem:v0+s14+$0x0], $0xffff;
	_ =	sdelay $0x1  }
0x292: {  	v1 =	vld.idx.msk [tilespmem:v1+s14+$0x0], $0xffff;
	_ =	sdelay $0x2  }
0x293: {  	[tilespmem:s30+$0x10] =	vst v0  }
0x294: {  	v0 =	vld [tilespmem:s10+$0x20]  }
0x295: {  	[tilespmem:s30+$0xFFFFFF90] =	vst v1;
	v1 =	vld.idx.msk [tilespmem:v2+s14+$0x0], $0xffff  }
0x296: {  	v3 =	vld [tilespmem:s1+$0xFFFFFF80];
	_ =	sdelay $0x1  }
0x297: {  	v2 =	vld [tilespmem:s10+$0xFFFFFFA0]  }
0x298: {  	s31 =	simm.s32 $0x1EA20  }
0x299: {  	[tilespmem:s31+$0x0] =	vst v1  }
0x29a: {  	v1 =	vld [tilespmem:s1+$0x10]  }
0x29b: {  	v0 =	vld.idx.msk [tilespmem:v0+s14+$0x0], $0xffff;
	_ =	sdelay $0x1  }
0x29c: {  	v3 =	vld.idx.msk [tilespmem:v3+s14+$0x0], $0xffff;
	_ =	sdelay $0x1  }
0x29d: {  	v2 =	vld.idx.msk [tilespmem:v2+s14+$0x0], $0xffff  }
0x29e: {  	[tilespmem:s30+$0x20] =	vst v0  }
0x29f: {  	v0 =	vld [tilespmem:s10+$0x30]  }
0x2a0: {  	[tilespmem:s31+$0xFFFFFF80] =	vst v3;
	v1 =	vld.idx.msk [tilespmem:v1+s14+$0x0], $0xffff  }
0x2a1: {  	v3 =	vld [tilespmem:s1+$0xFFFFFF90]  }
0x2a2: {  	[tilespmem:s30+$0xFFFFFFA0] =	vst v2  }
0x2a3: {  	v2 =	vld [tilespmem:s10+$0xFFFFFFB0];
	_ =	sdelay $0x1  }
0x2a4: {  	[tilespmem:s31+$0x10] =	vst v1  }
0x2a5: {  	v1 =	vld [tilespmem:s1+$0x20]  }
0x2a6: {  	s3 =	simm.s32 $0x1CB20;
	v0 =	vld.idx.msk [tilespmem:v0+s14+$0x0], $0xffff  }
0x2a7: {  	v4 =	vld [tilespmem:s3+$0x0]  }
0x2a8: {  	v3 =	vld.idx.msk [tilespmem:v3+s14+$0x0], $0xffff  }
0x2a9: {  	v5 =	vld [tilespmem:s3+$0xFFFFFF80]  }
0x2aa: {  	v2 =	vld.idx.msk [tilespmem:v2+s14+$0x0], $0xffff  }
0x2ab: {  	[tilespmem:s30+$0x30] =	vst v0  }
0x2ac: {  	v0 =	vld [tilespmem:s10+$0x40]  }
0x2ad: {  	[tilespmem:s31+$0xFFFFFF90] =	vst v3;
	v1 =	vld.idx.msk [tilespmem:v1+s14+$0x0], $0xffff  }
0x2ae: {  	v3 =	vld [tilespmem:s1+$0xFFFFFFA0]  }
0x2af: {  	v4 =	vld.idx.msk [tilespmem:v4+s14+$0x0], $0xffff;
	[tilespmem:s30+$0xFFFFFFB0] =	vst v2  }
0x2b0: {  	v2 =	vld [tilespmem:s10+$0xFFFFFFC0]  }
0x2b1: {  	s4 =	simm.s32 $0x1CC20;
	v5 =	vld.idx.msk [tilespmem:v5+s14+$0x0], $0xffff  }
0x2b2: {  	v6 =	vld [tilespmem:s4+$0x0];
	[tilespmem:s31+$0x20] =	vst v1  }
0x2b3: {  	s16 =	simm.s32 $0x1EB20;
	v1 =	vld [tilespmem:s1+$0x30]  }
0x2b4: {  	[tilespmem:s16+$0x0] =	vst v4;
	v0 =	vld.idx.msk [tilespmem:v0+s14+$0x0], $0xffff  }
0x2b5: {  	v4 =	vld [tilespmem:s3+$0x10]  }
0x2b6: {  	[tilespmem:s16+$0xFFFFFF80] =	vst v5;
	v3 =	vld.idx.msk [tilespmem:v3+s14+$0x0], $0xffff  }
0x2b7: {  	v5 =	vld [tilespmem:s3+$0xFFFFFF90]  }
0x2b8: {  	v2 =	vld.idx.msk [tilespmem:v2+s14+$0x0], $0xffff  }
0x2b9: {  	v7 =	vld [tilespmem:s4+$0xFFFFFF80];
	[tilespmem:s30+$0x40] =	vst v0  }
0x2ba: {  	v0 =	vld [tilespmem:s10+$0x50]  }
0x2bb: {  	[tilespmem:s31+$0xFFFFFFA0] =	vst v3;
	v1 =	vld.idx.msk [tilespmem:v1+s14+$0x0], $0xffff  }
0x2bc: {  	v3 =	vld [tilespmem:s1+$0xFFFFFFB0]  }
0x2bd: {  	v4 =	vld.idx.msk [tilespmem:v4+s14+$0x0], $0xffff;
	[tilespmem:s30+$0xFFFFFFC0] =	vst v2  }
0x2be: {  	v2 =	vld [tilespmem:s10+$0xFFFFFFD0]  }
0x2bf: {  	v5 =	vld.idx.msk [tilespmem:v5+s14+$0x0], $0xffff  }
0x2c0: {  	v6 =	vld.idx.msk [tilespmem:v6+s14+$0x0], $0xffff;
	[tilespmem:s31+$0x30] =	vst v1  }
0x2c1: {  	v1 =	vld [tilespmem:s1+$0x40]  }
0x2c2: {  	[tilespmem:s16+$0x10] =	vst v4;
	v0 =	vld.idx.msk [tilespmem:v0+s14+$0x0], $0xffff  }
0x2c3: {  	v4 =	vld [tilespmem:s3+$0x20]  }
0x2c4: {  	[tilespmem:s16+$0xFFFFFF90] =	vst v5;
	v3 =	vld.idx.msk [tilespmem:v3+s14+$0x0], $0xffff  }
0x2c5: {  	v5 =	vld [tilespmem:s3+$0xFFFFFFA0]  }
0x2c6: {  	v2 =	vld.idx.msk [tilespmem:v2+s14+$0x0], $0xffff  }
0x2c7: {  	v7 =	vld.idx.msk [tilespmem:v7+s14+$0x0], $0xffff;
	[tilespmem:s30+$0x50] =	vst v0  }
0x2c8: {  	v0 =	vld [tilespmem:s10+$0x60]  }
0x2c9: {  	s5 =	simm.s32 $0x1EC20;
	[tilespmem:s31+$0xFFFFFFB0] =	vst v3;
	v1 =	vld.idx.msk [tilespmem:v1+s14+$0x0], $0xffff  }
0x2ca: {  	[tilespmem:s5+$0x0] =	vst v6;
	v3 =	vld [tilespmem:s1+$0xFFFFFFC0]  }
0x2cb: {  	[tilespmem:s30+$0xFFFFFFD0] =	vst v2;
	v2 =	vld.idx.msk [tilespmem:v4+s14+$0x0], $0xffff  }
0x2cc: {  	v6 =	vld [tilespmem:s4+$0x10]  }
0x2cd: {  	v4 =	vld [tilespmem:s10+$0xFFFFFFE0]  }
0x2ce: {  	v5 =	vld.idx.msk [tilespmem:v5+s14+$0x0], $0xffff;
	[tilespmem:s31+$0x40] =	vst v1  }
0x2cf: {  	v1 =	vld [tilespmem:s1+$0x50]  }
0x2d0: {  	[tilespmem:s16+$0x20] =	vst v2;
	v0 =	vld.idx.msk [tilespmem:v0+s14+$0x0], $0xffff  }
0x2d1: {  	v2 =	vld [tilespmem:s3+$0x30]  }
0x2d2: {  	[tilespmem:s5+$0xFFFFFF80] =	vst v7;
	v3 =	vld.idx.msk [tilespmem:v3+s14+$0x0], $0xffff  }
0x2d3: {  	v8 =	vld [tilespmem:s4+$0xFFFFFF90];
	[tilespmem:s16+$0xFFFFFFA0] =	vst v5  }
0x2d4: {  	v9 =	vld [tilespmem:s3+$0xFFFFFFB0]  }
0x2d5: {  	v4 =	vld.idx.msk [tilespmem:v4+s14+$0x0], $0xffff;
	[tilespmem:s30+$0x60] =	vst v0  }
0x2d6: {  	v0 =	vld [tilespmem:s10+$0x70]  }
0x2d7: {  	[tilespmem:s31+$0xFFFFFFC0] =	vst v3;
	v1 =	vld.idx.msk [tilespmem:v1+s14+$0x0], $0xffff  }
0x2d8: {  	v10 =	vld [tilespmem:s1+$0xFFFFFFD0]  }
0x2d9: {  	v2 =	vld.idx.msk [tilespmem:v2+s14+$0x0], $0xffff  }
0x2da: {  	[tilespmem:s30+$0xFFFFFFE0] =	vst v4;
	v4 =	vld.idx.msk [tilespmem:v6+s14+$0x0], $0xffff;
	_ =	sdelay $0x1  }
0x2db: {  	v5 =	vld.idx.msk [tilespmem:v8+s14+$0x0], $0xffff;
	[tilespmem:s31+$0x50] =	vst v1  }
0x2dc: {  	v1 =	vld [tilespmem:s1+$0x60]  }
0x2dd: {  	[tilespmem:s16+$0x30] =	vst v2;
	v7 =	vld.idx.msk [tilespmem:v0+s14+$0x0], $0xffff  }
0x2de: {  	[tilespmem:s5+$0x10] =	vst v4;
	v4 =	vld.idx.msk [tilespmem:v9+s14+$0x0], $0xffff  }
0x2df: {  	v3 =	vld [tilespmem:s3+$0x40]  }
0x2e0: {  	v2 =	vld.idx.msk [tilespmem:v10+s14+$0x0], $0xffff  }
0x2e1: {  	v6 =	vld [tilespmem:s4+$0x20]  }
0x2e2: {  	s12 =	simm.s32 $0x1CD20;
	v0 =	vld [tilespmem:s10+$0xFFFFFFF0];
	s10 =	simm.s32 $0x6;
	[tilespmem:s30+$0x70] =	vst v7  }
.LBB2_12:
0x2e3: {  	v7 =	vld [tilespmem:s12+$0x0];
	s10 =	sadd.s32 $0x2, s10;
	s13 =	smov.u32 s16;
	s16 =	smov.u32 s5  }
0x2e4: {  	v8 =	vld [tilespmem:s12+$0xFFFFFF80];
	p2 =	slt.u32 s10, $0x1E;
	[tilespmem:s5+$0xFFFFFF90] =	vst v5  }
0x2e5: {  	v1 =	vld.idx.msk [tilespmem:v1+s14+$0x0], $0xffff  }
0x2e6: {  	v5 =	vld [tilespmem:s4+$0xFFFFFFA0];
	[tilespmem:s13+$0xFFFFFFB0] =	vst v4  }
0x2e7: {  	v3 =	vld.idx.msk [tilespmem:v3+s14+$0x0], $0xffff  }
0x2e8: {  	v4 =	vld [tilespmem:s3+$0xFFFFFFC0];
	[tilespmem:s31+$0xFFFFFFD0] =	vst v2  }
0x2e9: {  	v2 =	vld.idx.msk [tilespmem:v6+s14+$0x0], $0xffff  }
0x2ea: {  	v6 =	vld [tilespmem:s1+$0xFFFFFFE0]  }
0x2eb: {  	v7 =	vld.idx.msk [tilespmem:v7+s14+$0x0], $0xffff;
	[tilespmem:s31+$0x60] =	vst v1  }
0x2ec: {  	v1 =	vld [tilespmem:s1+$0x70]  }
0x2ed: {  	v8 =	vld.idx.msk [tilespmem:v8+s14+$0x0], $0xffff;
	[tilespmem:s13+$0x40] =	vst v3  }
0x2ee: {  	v3 =	vld [tilespmem:s3+$0x50]  }
0x2ef: {  	v5 =	vld.idx.msk [tilespmem:v5+s14+$0x0], $0xffff;
	[tilespmem:s5+$0x20] =	vst v2  }
0x2f0: {  	s5 =	sadd.s32 $0x100, s5;
	v2 =	vld [tilespmem:s4+$0x30]  }
0x2f1: {  	[tilespmem:s5+$0x0] =	vst v7;
	v4 =	vld.idx.msk [tilespmem:v4+s14+$0x0], $0xffff  }
0x2f2: {  	v7 =	vld [tilespmem:s12+$0x10]  }
0x2f3: {  	[tilespmem:s5+$0xFFFFFF80] =	vst v8;
	v6 =	vld.idx.msk [tilespmem:v6+s14+$0x0], $0xffff  }
0x2f4: {  	v1 =	vld.idx.msk [tilespmem:v1+s14+$0x0], $0xffff  }
0x2f5: {  	v8 =	vld [tilespmem:s12+$0xFFFFFF90];
	[tilespmem:s16+$0xFFFFFFA0] =	vst v5  }
0x2f6: {  	v3 =	vld.idx.msk [tilespmem:v3+s14+$0x0], $0xffff  }
0x2f7: {  	v9 =	vld [tilespmem:s4+$0xFFFFFFB0];
	[tilespmem:s13+$0xFFFFFFC0] =	vst v4  }
0x2f8: {  	v2 =	vld.idx.msk [tilespmem:v2+s14+$0x0], $0xffff  }
0x2f9: {  	v10 =	vld [tilespmem:s3+$0xFFFFFFD0];
	[tilespmem:s31+$0xFFFFFFE0] =	vst v6  }
0x2fa: {  	v4 =	vld.idx.msk [tilespmem:v7+s14+$0x0], $0xffff;
	[tilespmem:s31+$0x70] =	vst v1  }
0x2fb: {  	v6 =	vld [tilespmem:s1+$0xFFFFFFF0];
	s1 =	smov.u32 s3;
	s3 =	smov.u32 s4;
	s4 =	smov.u32 s12  }
0x2fc: {  	[tilespmem:s13+$0x50] =	vst v3;
	v7 =	vld.idx.msk [tilespmem:v0+s14+$0x0], $0xffff  }
0x2fd: {  	v1 =	vld [tilespmem:s1+$0x60]  }
.Ltmp7:
0x2fe: {  	v5 =	vld.idx.msk [tilespmem:v8+s14+$0x0], $0xffff;
	[tilespmem:s16+$0x30] =	vst v2;
	(pc) =	sbr.rel @p2 .LBB2_12-.Ltmp7, $4  }
0x2ff: {  	v3 =	vld [tilespmem:s3+$0x40]  }
0x300: {  	[tilespmem:s5+$0x10] =	vst v4;
	v4 =	vld.idx.msk [tilespmem:v9+s14+$0x0], $0xffff;
	v0 =	vmov v6  }
0x301: {  	v6 =	vld [tilespmem:s12+$0x20]  }
0x302: {  	s12 =	sadd.s32 $0x100, s12;
	v2 =	vld.idx.msk [tilespmem:v10+s14+$0x0], $0xffff;
	[tilespmem:s30+$0xFFFFFFF0] =	vst v7;
	s30 =	smov.u32 s31;
	s31 =	smov.u32 s13  }
0x303: {  	[tilespmem:s5+$0xFFFFFF90] =	vst v5  }
0x304: {  	v5 =	vld [tilespmem:s4+$0xFFFFFFA0];
	_ =	sdelay $0x6  }
0x305: {  	v6 =	vld.idx.msk [tilespmem:v6+s14+$0x0], $0xffff  }
0x306: {  	v5 =	vld.idx.msk [tilespmem:v5+s14+$0x0], $0xffff;
	_ =	sdelay $0x3  }
0x307: {  	[tilespmem:s5+$0x20] =	vst v6  }
0x308: {  	v6 =	vld [tilespmem:s4+$0x30];
	[tilespmem:s5+$0xFFFFFFA0] =	vst v5  }
0x309: {  	v5 =	vld [tilespmem:s4+$0xFFFFFFB0];
	_ =	sdelay $0x6  }
0x30a: {  	v6 =	vld.idx.msk [tilespmem:v6+s14+$0x0], $0xffff  }
0x30b: {  	v5 =	vld.idx.msk [tilespmem:v5+s14+$0x0], $0xffff;
	_ =	sdelay $0x2  }
0x30c: {  	[tilespmem:s16+$0xFFFFFFB0] =	vst v4  }
0x30d: {  	v59 =	vld [tilespmem:s3+$0xFFFFFFC0];
	[tilespmem:s5+$0x30] =	vst v6  }
0x30e: {  	v58 =	vld [tilespmem:s4+$0x40];
	[tilespmem:s5+$0xFFFFFFB0] =	vst v5  }
0x30f: {  	v5 =	vld [tilespmem:s4+$0xFFFFFFC0];
	_ =	sdelay $0x4  }
0x310: {  	v3 =	vld.idx.msk [tilespmem:v3+s14+$0x0], $0xffff  }
0x311: {  	v6 =	vld.idx.msk [tilespmem:v59+s14+$0x0], $0xffff  }
0x312: {  	v4 =	vld.idx.msk [tilespmem:v58+s14+$0x0], $0xffff  }
0x313: {  	v5 =	vld.idx.msk [tilespmem:v5+s14+$0x0], $0xffff;
	_ =	sdelay $0x1  }
0x314: {  	[tilespmem:s16+$0x40] =	vst v3  }
0x315: {  	v3 =	vld [tilespmem:s3+$0x50];
	[tilespmem:s16+$0xFFFFFFC0] =	vst v6  }
0x316: {  	v6 =	vld [tilespmem:s3+$0xFFFFFFD0];
	[tilespmem:s5+$0x40] =	vst v4  }
0x317: {  	v4 =	vld [tilespmem:s4+$0x50];
	[tilespmem:s5+$0xFFFFFFC0] =	vst v5  }
0x318: {  	v5 =	vld [tilespmem:s4+$0xFFFFFFD0];
	_ =	sdelay $0x4  }
0x319: {  	v3 =	vld.idx.msk [tilespmem:v3+s14+$0x0], $0xffff  }
0x31a: {  	v6 =	vld.idx.msk [tilespmem:v6+s14+$0x0], $0xffff  }
0x31b: {  	v4 =	vld.idx.msk [tilespmem:v4+s14+$0x0], $0xffff  }
0x31c: {  	v5 =	vld.idx.msk [tilespmem:v5+s14+$0x0], $0xffff  }
0x31d: {  	[tilespmem:s31+$0xFFFFFFD0] =	vst v2  }
0x31e: {  	v61 =	vld [tilespmem:s1+$0xFFFFFFE0];
	[tilespmem:s16+$0x50] =	vst v3  }
0x31f: {  	v60 =	vld [tilespmem:s3+$0x60];
	[tilespmem:s16+$0xFFFFFFD0] =	vst v6  }
0x320: {  	v6 =	vld [tilespmem:s3+$0xFFFFFFE0];
	[tilespmem:s5+$0x50] =	vst v4  }
0x321: {  	v4 =	vld [tilespmem:s4+$0x60];
	[tilespmem:s5+$0xFFFFFFD0] =	vst v5  }
0x322: {  	v5 =	vld [tilespmem:s4+$0xFFFFFFE0];
	_ =	sdelay $0x2  }
0x323: {  	v1 =	vld.idx.msk [tilespmem:v1+s14+$0x0], $0xffff  }
0x324: {  	v3 =	vld.idx.msk [tilespmem:v61+s14+$0x0], $0xffff  }
0x325: {  	v2 =	vld.idx.msk [tilespmem:v60+s14+$0x0], $0xffff  }
0x326: {  	v6 =	vld.idx.msk [tilespmem:v6+s14+$0x0], $0xffff  }
0x327: {  	v4 =	vld.idx.msk [tilespmem:v4+s14+$0x0], $0xffff  }
0x328: {  	[tilespmem:s31+$0x60] =	vst v1;
	v5 =	vld.idx.msk [tilespmem:v5+s14+$0x0], $0xffff  }
0x329: {  	v1 =	vld [tilespmem:s1+$0x70];
	[tilespmem:s31+$0xFFFFFFE0] =	vst v3  }
0x32a: {  	v3 =	vld [tilespmem:s1+$0xFFFFFFF0];
	[tilespmem:s16+$0x60] =	vst v2  }
0x32b: {  	v2 =	vld [tilespmem:s3+$0x70];
	[tilespmem:s16+$0xFFFFFFE0] =	vst v6  }
0x32c: {  	v6 =	vld [tilespmem:s3+$0xFFFFFFF0];
	[tilespmem:s5+$0x60] =	vst v4  }
0x32d: {  	v4 =	vld [tilespmem:s4+$0x70];
	[tilespmem:s5+$0xFFFFFFE0] =	vst v5  }
0x32e: {  	v5 =	vld [tilespmem:s4+$0xFFFFFFF0];
	_ =	sdelay $0x1  }
0x32f: {  	v0 =	vld.idx.msk [tilespmem:v0+s14+$0x0], $0xffff  }
0x330: {  	v1 =	vld.idx.msk [tilespmem:v1+s14+$0x0], $0xffff  }
0x331: {  	v3 =	vld.idx.msk [tilespmem:v3+s14+$0x0], $0xffff  }
0x332: {  	v2 =	vld.idx.msk [tilespmem:v2+s14+$0x0], $0xffff  }
0x333: {  	v62 =	vld.idx.msk [tilespmem:v6+s14+$0x0], $0xffff  }
0x334: {  	[tilespmem:s30+$0xFFFFFFF0] =	vst v0;
	v4 =	vld.idx.msk [tilespmem:v4+s14+$0x0], $0xffff  }
0x335: {  	[tilespmem:s31+$0x70] =	vst v1;
	v63 =	vld.idx.msk [tilespmem:v5+s14+$0x0], $0xffff  }
0x336: {  	[tilespmem:s31+$0xFFFFFFF0] =	vst v3  }
.Ltmp8:
0x337: {  	[tilespmem:s16+$0x70] =	vst v2;
	(pc) =	sbr.rel @p1 .LBB2_15-.Ltmp8, $4  }
0x338: {  	[tilespmem:s16+$0xFFFFFFF0] =	vst v62  }
0x339: {  	[tilespmem:s5+$0x70] =	vst v4  }
0x33a: {  	s31 =	sadd.s32 s29, s9;
	[tilespmem:s5+$0xFFFFFFF0] =	vst v63  }
0x33b: {  	[hbm4b:s31+s19] =	stream.strided.scatter [tilespmem:s23], [sflag:$0x4], $0x1000, s20, s19, $0x38;
	[tilespmem:$0x1F8A0] =	vst v63  }
.Ltmp9:
0x33c: {  	s1 =	sshll.u32 s28, $0xD;
	(pc) =	sbr.rel .LBB2_9-.Ltmp9, $4  }
0x33d: {  	s1 =	sand.u32 $0x3FFFE000, s1  }
0x33e: {  	s1 =	sadd.s32 s1, s2  }
0x33f: {  	s28 =	sadd.s32 $0x1, s28;
	s1 =	sadd.s32 $0x3000, s1  }
0x340: {  	[tilespmem:s17], [sflag:$0x2] =	stream.linear.gather [spmem:s1], $0x1000, $0x38;
	[tilespmem:$0x1F8A0] =	vst v63  }
.LBB2_16:
0x341: {  	_ =	sfence.sel $0x180000  }
0x342: {  	[bflag:$0x0] =	sbarrier.arrive $0xFFFF  }
0x343: {  	_ =	strace $0x90000047  }
0x344: {  	[bflag:$0x2] =	sbarrier.arrive $0xFFFF  }
0x345: {  	s0 =	rddreg [dreg:$0x3]  }
0x346: {  	s0 =	sadd.s32 @!p0 $0x100000, s0  }
0x347: {  	[sflag:s0] =	ssyncadd.tile.s32 @!p0 $0x1;
	_ =	shalt  }
.Lfunc_end2:
_tile_overlayer_lowered:
.L_overlay_start_2:
0x348: {  	(tag) =	ssettag $0x2  }
0x349: {  	s0 =	rddreg [dreg:$0x0];
	s2 =	stileid.u32  }
0x34a: {  	s1 =	rddreg [dreg:$0x1];
	p0 =	sne.s32 s2, $0x0  }
0x34b: {  	s3 =	rddreg [dreg:$0x2];
	[bflag:$0x3] =	sbarrier.arrive $0xFFFF;
	s2 =	simm.s32 @!p0 $0x1C05  }
0x34c: {  	[timem:s3], [sflag:s2] =	dma.local @!p0 [hbm:s0], s1  }
0x34d: {  	s0 =	simm.s32 @!p0 $0x5  }
0x34e: {  	_ =	swait.ge @!p0 [sflag:s0], s1  }
0x34f: {  	s1 =	ssub.s32 @!p0 $0x0, s1;
	[sflag:s0] =	ssyncset.done @!p0 $0x0  }
0x350: {  	[sflag:s0] =	ssyncadd.s32 @!p0 s1  }
0x351: {  	[bflag:$0x3] =	sbarrier.arrive $0xFFFF  }
0x352: {  	_ =	shalt  }

</sc_bundles>
